<compile_context>
chip_gen: v7x
topology: tpu7x:2x2x1
jax: 0.10.2.dev20260603
libtpu: 0.0.44.dev20260713+nightly
codegen_flags: <defaults>
</compile_context>

<pallas_src>
import jax
import jax.numpy as jnp
from jax.experimental import pallas as pl
from jax.experimental.pallas import tpu as pltpu
from jax.experimental.pallas import tpu_sc as plsc

N_TOKENS = 32768
EMBED = 768
N_EXP = 5
NUM_HEADS = 12
D_K = EMBED // NUM_HEADS

GATHER_WIN = 128
TOKEN_BLK = 1024


N_SUBCORES = 32
HALF = 64


def _sc_gather(x, idx2d):
    mesh = plsc.VectorSubcoreMesh(core_axis_name="core", subcore_axis_name="subcore")
    width = x.shape[1]
    n = idx2d.shape[1]
    chunk = n // N_SUBCORES

    @pl.kernel(
        out_type=jax.ShapeDtypeStruct((n, width), x.dtype),
        mesh=mesh,
        scratch_types=[
            pltpu.VMEM((1, chunk), jnp.int32),
            pltpu.VMEM((HALF, width), x.dtype),
            pltpu.VMEM((HALF, width), x.dtype),
            pltpu.SemaphoreType.DMA,
            pltpu.SemaphoreType.DMA,
            pltpu.SemaphoreType.DMA,
        ],
    )
    def k(x_hbm, i_hbm, o_hbm, idx_buf, buf0, buf1, sem_i, sem0, sem1):
        core = jax.lax.axis_index("core")
        sub = jax.lax.axis_index("subcore")
        base = (core * 16 + sub) * chunk
        pltpu.make_async_copy(
            i_hbm.at[pl.ds(0, 1), pl.ds(base, chunk)], idx_buf, sem_i
        ).start()
        pltpu.make_async_copy(
            i_hbm.at[pl.ds(0, 1), pl.ds(base, chunk)], idx_buf, sem_i
        ).wait()

        @pl.loop(0, chunk // (2 * HALF))
        def _(s):
            r0 = 2 * s * HALF
            r1 = r0 + HALF
            pltpu.sync_copy(x_hbm.at[idx_buf.at[0, pl.ds(r0, HALF)]], buf0)
            wb0 = pltpu.make_async_copy(
                buf0, o_hbm.at[pl.ds(base + r0, HALF), :], sem0)
            wb0.start()
            pltpu.sync_copy(x_hbm.at[idx_buf.at[0, pl.ds(r1, HALF)]], buf1)
            wb1 = pltpu.make_async_copy(
                buf1, o_hbm.at[pl.ds(base + r1, HALF), :], sem1)
            wb1.start()
            wb0.wait()
            wb1.wait()

    return k(x, idx2d)


def _tc_moe_body(m_ref, g_ref, w_ref, b_ref, o_ref):
    g = g_ref[...].astype(jnp.bfloat16)
    m = m_ref[...]
    prio = jax.lax.broadcasted_iota(jnp.int32, m.shape, 1) + 1
    e = jnp.max(prio * m, axis=1, keepdims=True) - 1
    acc = jnp.zeros((g.shape[0], EMBED), jnp.float32)
    for i in range(N_EXP):
        y = jnp.dot(g, w_ref[i], preferred_element_type=jnp.float32)
        y = y + b_ref[i:i + 1, :]
        acc = jnp.where(e == i, y, acc)
    o_ref[...] = acc


CHUNK_SIZES = (16384, 16384)


def _tc_moe_chunk(buf, g, masks_c, w_t_bf16, b, tok_off):
    off = tok_off // TOKEN_BLK
    n_blks = g.shape[0] // TOKEN_BLK
    in_specs = [
        pl.BlockSpec((TOKEN_BLK, 8), lambda i: (i, 0)),
        pl.BlockSpec((TOKEN_BLK, EMBED), lambda i: (i, 0)),
        pl.BlockSpec((N_EXP, EMBED, EMBED), lambda i: (0, 0, 0)),
        pl.BlockSpec((N_EXP, EMBED), lambda i: (0, 0)),
    ]
    args = (masks_c, g, w_t_bf16, b)
    kwargs = {}
    body = _tc_moe_body
    if tok_off > 0:
        in_specs = [pl.BlockSpec(memory_space=pltpu.MemorySpace.HBM)] + in_specs
        args = (buf,) + args
        kwargs = {"input_output_aliases": {0: 0}}
        body = lambda buf_ref, *rest: _tc_moe_body(*rest)
    return pl.pallas_call(
        body,
        grid=(n_blks,),
        in_specs=in_specs,
        out_specs=pl.BlockSpec((TOKEN_BLK, EMBED), lambda i: (i + off, 0)),
        out_shape=jax.ShapeDtypeStruct((N_TOKENS, EMBED), jnp.float32),
        **kwargs,
    )(*args)


def kernel(x, index, masks, W, b):
    idx2d = index.astype(jnp.int32).reshape(1, N_TOKENS)
    masks_pad = jnp.zeros((N_TOKENS, 8), jnp.int32).at[:, :N_EXP].set(
        masks.astype(jnp.int32).T)
    w_t = W.transpose(0, 2, 1).astype(jnp.bfloat16)
    out = None
    tok_off = 0
    for sz in CHUNK_SIZES:
        sl = slice(tok_off, tok_off + sz)
        g_c = _sc_gather(x, idx2d[:, sl])
        out = _tc_moe_chunk(out, g_c, masks_pad[sl], w_t, b, tok_off)
        tok_off += sz
    return out.reshape(N_TOKENS, NUM_HEADS, D_K)

# --- scband reference (transcript-rebuilt; emitter-appended) ---
"""Pipeline reference for scband-projection-22737556865606 (READ-ONLY COPY).

The authoritative reference and input builder live on the scoring server;
editing this copy changes nothing except your own understanding.
"""

import jax, jax.numpy as jnp
import numpy as np

EMBED_DIM = 768
NUM_HEADS = 12
D_K = EMBED_DIM // NUM_HEADS
N_TOKENS = 32768
N_SRC = 32768
N_MASKS = 5


def setup_inputs(seed: int = 0) -> dict:
    key = jax.random.key(seed)
    k0, k1, k2, k3, k4 = jax.random.split(key, 5)
    x = jax.random.normal(k0, (N_SRC, EMBED_DIM), dtype=jnp.float32)
    index = jax.random.randint(k1, (N_TOKENS,), 0, N_SRC)
    masks = jax.random.randint(k2, (N_MASKS, N_TOKENS), 0, 2) == 1
    # 5 linear layers: weight [D, D] (out, in) and bias [D], torch-style init scale
    bound = 1.0 / np.sqrt(EMBED_DIM)
    W = jax.random.uniform(k3, (N_MASKS, EMBED_DIM, EMBED_DIM), dtype=jnp.float32, minval=-bound, maxval=bound)
    b = jax.random.uniform(k4, (N_MASKS, EMBED_DIM), dtype=jnp.float32, minval=-bound, maxval=bound)
    return {"x": x, "index": index, "masks": masks, "W": W, "b": b}


def reference(x, index, masks, W, b):
    # output = zeros([N, heads*d_k]); for each (mask, linear): output[mask] = linear(x[index[mask]])
    n = index.shape[0]
    out = jnp.zeros((n, NUM_HEADS * D_K), dtype=jnp.float32)
    gathered = jnp.take(x, index, axis=0)  # x[index]
    for i in range(N_MASKS):
        y = gathered @ W[i].T + b[i]  # linear applied to x[index]; masked rows selected below
        out = jnp.where(masks[i][:, None], y, out)  # scatter-overwrite at mask positions (later masks win)
    return out.reshape(n, NUM_HEADS, D_K)

if __name__ == "__main__":
    import jax
    _d = setup_inputs()
    print(jax.jit(kernel)(*tuple(_d.values())))

</pallas_src>

<mosaic_0001>
#map = affine_map<(d0, d1) -> (0, 0)>
module attributes {stable_mosaic.version = 14 : i64} {
  func.func @k(%arg0: i32, %arg1: i32, %arg2: memref<32768x768xf32, #tpu.memory_space<hbm>>, %arg3: memref<1x16384xi32, #tpu.memory_space<hbm>>, %arg4: memref<16384x768xf32, #tpu.memory_space<hbm>>, %arg5: memref<1x512xi32, #tpu.memory_space<vmem>>, %arg6: memref<64x768xf32, #tpu.memory_space<vmem>>, %arg7: memref<64x768xf32, #tpu.memory_space<vmem>>, %arg8: memref<!tpu.dma_semaphore, #tpu.memory_space<semaphore_mem>>, %arg9: memref<!tpu.dma_semaphore, #tpu.memory_space<semaphore_mem>>, %arg10: memref<!tpu.dma_semaphore, #tpu.memory_space<semaphore_mem>>) attributes {dimension_semantics = [#tpu.dimension_semantics<core_parallel>, #tpu.dimension_semantics<subcore_parallel>], iteration_bounds = array<i64: 2, 16>, scalar_prefetch = 0 : i64, scratch_operands = 6 : i64, tpu.core_type = #tpu.core_type<sc_vector_subcore>, window_params = [{transform_indices = #map}, {transform_indices = #map}, {transform_indices = #map}]} {
    %mul3A = arith.constant 16 : i32
    %mul3A_0 = arith.muli %arg0, %mul3A : i32
    %add3A = arith.addi %mul3A_0, %arg1 : i32
    %mul3A_1 = arith.constant 512 : i32
    %mul3A_2 = arith.muli %add3A, %mul3A_1 : i32
    %dma_start3A = arith.constant 0 : i32
    %dma_start3A_3 = tpu.memref_slice %arg3[%dma_start3A, %mul3A_2] : memref<1x16384xi32, #tpu.memory_space<hbm>> -> memref<1x512xi32, #tpu.memory_space<hbm>>
    %dma_start3A_4 = arith.constant 0 : i32
    %dma_start3A_5 = tpu.memref_slice %arg3[%dma_start3A_4, %mul3A_2] : memref<1x16384xi32, #tpu.memory_space<hbm>> -> memref<1x512xi32, #tpu.memory_space<hbm>>
    tpu.enqueue_dma source(%dma_start3A_5 : memref<1x512xi32, #tpu.memory_space<hbm>>) target(%arg5 : memref<1x512xi32, #tpu.memory_space<vmem>>) target_semaphore(%arg8 : memref<!tpu.dma_semaphore, #tpu.memory_space<semaphore_mem>>)
    %dma_wait3A = arith.constant 0 : i32
    %dma_wait3A_6 = tpu.memref_slice %arg3[%dma_wait3A, %mul3A_2] : memref<1x16384xi32, #tpu.memory_space<hbm>> -> memref<1x512xi32, #tpu.memory_space<hbm>>
    %dma_wait3A_7 = arith.constant 0 : i32
    %dma_wait3A_8 = tpu.memref_slice %arg3[%dma_wait3A_7, %mul3A_2] : memref<1x16384xi32, #tpu.memory_space<hbm>> -> memref<1x512xi32, #tpu.memory_space<hbm>>
    tpu.wait_dma2 semaphore(%arg8 : memref<!tpu.dma_semaphore, #tpu.memory_space<semaphore_mem>>) src(%dma_wait3A_8 : memref<1x512xi32, #tpu.memory_space<hbm>>) dst(%arg5 : memref<1x512xi32, #tpu.memory_space<vmem>>)
    %scan3A = arith.constant 0 : i32
    %scan3A_9 = arith.constant 4 : i32
    %scan3A_10 = arith.addi %scan3A, %scan3A_9 : i32
    %scan3A_11 = arith.constant 1 : i32
    scf.for %scan3A_13 = %scan3A to %scan3A_10 step %scan3A_11  : i32 {
      %mul3A_14 = arith.constant 1 : i32
      %mul3A_15 = arith.muli %scan3A_13, %mul3A_14 : i32
      %add3A_16 = arith.constant 0 : i32
      %add3A_17 = arith.addi %add3A_16, %mul3A_15 : i32
      %mul3A_18 = arith.constant 2 : i32
      %mul3A_19 = arith.muli %mul3A_18, %add3A_17 : i32
      %mul3A_20 = arith.constant 64 : i32
      %mul3A_21 = arith.muli %mul3A_19, %mul3A_20 : i32
      %add3A_22 = arith.constant 64 : i32
      %add3A_23 = arith.addi %mul3A_21, %add3A_22 : i32
      %run_scoped3A = arith.constant 0 : i32
      "tpu.region"() ({
        %run_scoped3A_43 = tpu.sem_alloc : memref<!tpu.dma_semaphore, #tpu.memory_space<semaphore_mem>>
        %dma_start3A_44 = tpu.memref_slice %arg5[%run_scoped3A, %mul3A_21] : memref<1x512xi32, #tpu.memory_space<vmem>> -> memref<1x64xi32, #tpu.memory_space<vmem>>
        %dma_start3A_45 = tpu.memref_squeeze %dma_start3A_44 : memref<1x64xi32, #tpu.memory_space<vmem>> -> memref<64xi32, #tpu.memory_space<vmem>>
        %dma_start3A_46 = arith.constant 0 : i32
        %dma_start3A_47 = arith.constant 0 : i32
        %dma_start3A_48 = tpu.memref_slice %arg2[%dma_start3A_46, %dma_start3A_47] : memref<32768x768xf32, #tpu.memory_space<hbm>> -> memref<32768x768xf32, #tpu.memory_space<hbm>>
        tpu.enqueue_indirect_dma source(%dma_start3A_48 : memref<32768x768xf32, #tpu.memory_space<hbm>>) target(%arg6 : memref<64x768xf32, #tpu.memory_space<vmem>>) offsets(%dma_start3A_45 : memref<64xi32, #tpu.memory_space<vmem>>) semaphore(%run_scoped3A_43 : memref<!tpu.dma_semaphore, #tpu.memory_space<semaphore_mem>>)
        %dma_wait3A_49 = tpu.memref_slice %arg5[%run_scoped3A, %mul3A_21] : memref<1x512xi32, #tpu.memory_space<vmem>> -> memref<1x64xi32, #tpu.memory_space<vmem>>
        %dma_wait3A_50 = tpu.memref_squeeze %dma_wait3A_49 : memref<1x64xi32, #tpu.memory_space<vmem>> -> memref<64xi32, #tpu.memory_space<vmem>>
        %dma_wait3A_51 = arith.constant 0 : i32
        %dma_wait3A_52 = arith.constant 0 : i32
        %dma_wait3A_53 = tpu.memref_slice %arg2[%dma_wait3A_51, %dma_wait3A_52] : memref<32768x768xf32, #tpu.memory_space<hbm>> -> memref<32768x768xf32, #tpu.memory_space<hbm>>
        tpu.wait_indirect_dma semaphore(%run_scoped3A_43 : memref<!tpu.dma_semaphore, #tpu.memory_space<semaphore_mem>>) src(%dma_wait3A_53 : memref<32768x768xf32, #tpu.memory_space<hbm>>) dst(%arg6 : memref<64x768xf32, #tpu.memory_space<vmem>>)
        tpu.yield
      }) : () -> ()
      %add3A_24 = arith.addi %mul3A_2, %mul3A_21 : i32
      %dma_start3A_25 = arith.constant 0 : i32
      %dma_start3A_26 = tpu.memref_slice %arg4[%add3A_24, %dma_start3A_25] : memref<16384x768xf32, #tpu.memory_space<hbm>> -> memref<64x768xf32, #tpu.memory_space<hbm>>
      %dma_start3A_27 = arith.constant 0 : i32
      %dma_start3A_28 = tpu.memref_slice %arg4[%add3A_24, %dma_start3A_27] : memref<16384x768xf32, #tpu.memory_space<hbm>> -> memref<64x768xf32, #tpu.memory_space<hbm>>
      tpu.enqueue_dma source(%arg6 : memref<64x768xf32, #tpu.memory_space<vmem>>) target(%dma_start3A_28 : memref<64x768xf32, #tpu.memory_space<hbm>>) target_semaphore(%arg9 : memref<!tpu.dma_semaphore, #tpu.memory_space<semaphore_mem>>)
      %run_scoped3A_29 = arith.constant 0 : i32
      "tpu.region"() ({
        %run_scoped3A_43 = tpu.sem_alloc : memref<!tpu.dma_semaphore, #tpu.memory_space<semaphore_mem>>
        %dma_start3A_44 = tpu.memref_slice %arg5[%run_scoped3A_29, %add3A_23] : memref<1x512xi32, #tpu.memory_space<vmem>> -> memref<1x64xi32, #tpu.memory_space<vmem>>
        %dma_start3A_45 = tpu.memref_squeeze %dma_start3A_44 : memref<1x64xi32, #tpu.memory_space<vmem>> -> memref<64xi32, #tpu.memory_space<vmem>>
        %dma_start3A_46 = arith.constant 0 : i32
        %dma_start3A_47 = arith.constant 0 : i32
        %dma_start3A_48 = tpu.memref_slice %arg2[%dma_start3A_46, %dma_start3A_47] : memref<32768x768xf32, #tpu.memory_space<hbm>> -> memref<32768x768xf32, #tpu.memory_space<hbm>>
        tpu.enqueue_indirect_dma source(%dma_start3A_48 : memref<32768x768xf32, #tpu.memory_space<hbm>>) target(%arg7 : memref<64x768xf32, #tpu.memory_space<vmem>>) offsets(%dma_start3A_45 : memref<64xi32, #tpu.memory_space<vmem>>) semaphore(%run_scoped3A_43 : memref<!tpu.dma_semaphore, #tpu.memory_space<semaphore_mem>>)
        %dma_wait3A_49 = tpu.memref_slice %arg5[%run_scoped3A_29, %add3A_23] : memref<1x512xi32, #tpu.memory_space<vmem>> -> memref<1x64xi32, #tpu.memory_space<vmem>>
        %dma_wait3A_50 = tpu.memref_squeeze %dma_wait3A_49 : memref<1x64xi32, #tpu.memory_space<vmem>> -> memref<64xi32, #tpu.memory_space<vmem>>
        %dma_wait3A_51 = arith.constant 0 : i32
        %dma_wait3A_52 = arith.constant 0 : i32
        %dma_wait3A_53 = tpu.memref_slice %arg2[%dma_wait3A_51, %dma_wait3A_52] : memref<32768x768xf32, #tpu.memory_space<hbm>> -> memref<32768x768xf32, #tpu.memory_space<hbm>>
        tpu.wait_indirect_dma semaphore(%run_scoped3A_43 : memref<!tpu.dma_semaphore, #tpu.memory_space<semaphore_mem>>) src(%dma_wait3A_53 : memref<32768x768xf32, #tpu.memory_space<hbm>>) dst(%arg7 : memref<64x768xf32, #tpu.memory_space<vmem>>)
        tpu.yield
      }) : () -> ()
      %add3A_30 = arith.addi %mul3A_2, %add3A_23 : i32
      %dma_start3A_31 = arith.constant 0 : i32
      %dma_start3A_32 = tpu.memref_slice %arg4[%add3A_30, %dma_start3A_31] : memref<16384x768xf32, #tpu.memory_space<hbm>> -> memref<64x768xf32, #tpu.memory_space<hbm>>
      %dma_start3A_33 = arith.constant 0 : i32
      %dma_start3A_34 = tpu.memref_slice %arg4[%add3A_30, %dma_start3A_33] : memref<16384x768xf32, #tpu.memory_space<hbm>> -> memref<64x768xf32, #tpu.memory_space<hbm>>
      tpu.enqueue_dma source(%arg7 : memref<64x768xf32, #tpu.memory_space<vmem>>) target(%dma_start3A_34 : memref<64x768xf32, #tpu.memory_space<hbm>>) target_semaphore(%arg10 : memref<!tpu.dma_semaphore, #tpu.memory_space<semaphore_mem>>)
      %dma_wait3A_35 = arith.constant 0 : i32
      %dma_wait3A_36 = tpu.memref_slice %arg4[%add3A_24, %dma_wait3A_35] : memref<16384x768xf32, #tpu.memory_space<hbm>> -> memref<64x768xf32, #tpu.memory_space<hbm>>
      %dma_wait3A_37 = arith.constant 0 : i32
      %dma_wait3A_38 = tpu.memref_slice %arg4[%add3A_24, %dma_wait3A_37] : memref<16384x768xf32, #tpu.memory_space<hbm>> -> memref<64x768xf32, #tpu.memory_space<hbm>>
      tpu.wait_dma2 semaphore(%arg9 : memref<!tpu.dma_semaphore, #tpu.memory_space<semaphore_mem>>) src(%arg6 : memref<64x768xf32, #tpu.memory_space<vmem>>) dst(%dma_wait3A_38 : memref<64x768xf32, #tpu.memory_space<hbm>>)
      %dma_wait3A_39 = arith.constant 0 : i32
      %dma_wait3A_40 = tpu.memref_slice %arg4[%add3A_30, %dma_wait3A_39] : memref<16384x768xf32, #tpu.memory_space<hbm>> -> memref<64x768xf32, #tpu.memory_space<hbm>>
      %dma_wait3A_41 = arith.constant 0 : i32
      %dma_wait3A_42 = tpu.memref_slice %arg4[%add3A_30, %dma_wait3A_41] : memref<16384x768xf32, #tpu.memory_space<hbm>> -> memref<64x768xf32, #tpu.memory_space<hbm>>
      tpu.wait_dma2 semaphore(%arg10 : memref<!tpu.dma_semaphore, #tpu.memory_space<semaphore_mem>>) src(%arg7 : memref<64x768xf32, #tpu.memory_space<vmem>>) dst(%dma_wait3A_42 : memref<64x768xf32, #tpu.memory_space<hbm>>)
    }
    %scan3A_12 = arith.constant 4 : i32
    return
  }
}

#map = affine_map<(d0, d1) -> (0, 0)>
module attributes {stable_mosaic.version = 14 : i64} {
  func.func @k(%arg0: i32, %arg1: i32, %arg2: memref<32768x768xf32, #tpu.memory_space<hbm>>, %arg3: memref<1x16384xi32, #tpu.memory_space<hbm>>, %arg4: memref<16384x768xf32, #tpu.memory_space<hbm>>, %arg5: memref<1x512xi32, #tpu.memory_space<vmem>>, %arg6: memref<64x768xf32, #tpu.memory_space<vmem>>, %arg7: memref<64x768xf32, #tpu.memory_space<vmem>>, %arg8: memref<!tpu.dma_semaphore, #tpu.memory_space<semaphore_mem>>, %arg9: memref<!tpu.dma_semaphore, #tpu.memory_space<semaphore_mem>>, %arg10: memref<!tpu.dma_semaphore, #tpu.memory_space<semaphore_mem>>) attributes {dimension_semantics = [#tpu.dimension_semantics<core_parallel>, #tpu.dimension_semantics<subcore_parallel>], iteration_bounds = array<i64: 2, 16>, scalar_prefetch = 0 : i64, scratch_operands = 6 : i64, tpu.core_type = #tpu.core_type<sc_vector_subcore>, window_params = [{transform_indices = #map}, {transform_indices = #map}, {transform_indices = #map}]} {
    %mul3A = arith.constant 16 : i32
    %mul3A_0 = arith.muli %arg0, %mul3A : i32
    %add3A = arith.addi %mul3A_0, %arg1 : i32
    %mul3A_1 = arith.constant 512 : i32
    %mul3A_2 = arith.muli %add3A, %mul3A_1 : i32
    %dma_start3A = arith.constant 0 : i32
    %dma_start3A_3 = tpu.memref_slice %arg3[%dma_start3A, %mul3A_2] : memref<1x16384xi32, #tpu.memory_space<hbm>> -> memref<1x512xi32, #tpu.memory_space<hbm>>
    %dma_start3A_4 = arith.constant 0 : i32
    %dma_start3A_5 = tpu.memref_slice %arg3[%dma_start3A_4, %mul3A_2] : memref<1x16384xi32, #tpu.memory_space<hbm>> -> memref<1x512xi32, #tpu.memory_space<hbm>>
    tpu.enqueue_dma source(%dma_start3A_5 : memref<1x512xi32, #tpu.memory_space<hbm>>) target(%arg5 : memref<1x512xi32, #tpu.memory_space<vmem>>) target_semaphore(%arg8 : memref<!tpu.dma_semaphore, #tpu.memory_space<semaphore_mem>>)
    %dma_wait3A = arith.constant 0 : i32
    %dma_wait3A_6 = tpu.memref_slice %arg3[%dma_wait3A, %mul3A_2] : memref<1x16384xi32, #tpu.memory_space<hbm>> -> memref<1x512xi32, #tpu.memory_space<hbm>>
    %dma_wait3A_7 = arith.constant 0 : i32
    %dma_wait3A_8 = tpu.memref_slice %arg3[%dma_wait3A_7, %mul3A_2] : memref<1x16384xi32, #tpu.memory_space<hbm>> -> memref<1x512xi32, #tpu.memory_space<hbm>>
    tpu.wait_dma2 semaphore(%arg8 : memref<!tpu.dma_semaphore, #tpu.memory_space<semaphore_mem>>) src(%dma_wait3A_8 : memref<1x512xi32, #tpu.memory_space<hbm>>) dst(%arg5 : memref<1x512xi32, #tpu.memory_space<vmem>>)
    %scan3A = arith.constant 0 : i32
    %scan3A_9 = arith.constant 4 : i32
    %scan3A_10 = arith.addi %scan3A, %scan3A_9 : i32
    %scan3A_11 = arith.constant 1 : i32
    scf.for %scan3A_13 = %scan3A to %scan3A_10 step %scan3A_11  : i32 {
      %mul3A_14 = arith.constant 1 : i32
      %mul3A_15 = arith.muli %scan3A_13, %mul3A_14 : i32
      %add3A_16 = arith.constant 0 : i32
      %add3A_17 = arith.addi %add3A_16, %mul3A_15 : i32
      %mul3A_18 = arith.constant 2 : i32
      %mul3A_19 = arith.muli %mul3A_18, %add3A_17 : i32
      %mul3A_20 = arith.constant 64 : i32
      %mul3A_21 = arith.muli %mul3A_19, %mul3A_20 : i32
      %add3A_22 = arith.constant 64 : i32
      %add3A_23 = arith.addi %mul3A_21, %add3A_22 : i32
      %run_scoped3A = arith.constant 0 : i32
      "tpu.region"() ({
        %run_scoped3A_43 = tpu.sem_alloc : memref<!tpu.dma_semaphore, #tpu.memory_space<semaphore_mem>>
        %dma_start3A_44 = tpu.memref_slice %arg5[%run_scoped3A, %mul3A_21] : memref<1x512xi32, #tpu.memory_space<vmem>> -> memref<1x64xi32, #tpu.memory_space<vmem>>
        %dma_start3A_45 = tpu.memref_squeeze %dma_start3A_44 : memref<1x64xi32, #tpu.memory_space<vmem>> -> memref<64xi32, #tpu.memory_space<vmem>>
        %dma_start3A_46 = arith.constant 0 : i32
        %dma_start3A_47 = arith.constant 0 : i32
        %dma_start3A_48 = tpu.memref_slice %arg2[%dma_start3A_46, %dma_start3A_47] : memref<32768x768xf32, #tpu.memory_space<hbm>> -> memref<32768x768xf32, #tpu.memory_space<hbm>>
        tpu.enqueue_indirect_dma source(%dma_start3A_48 : memref<32768x768xf32, #tpu.memory_space<hbm>>) target(%arg6 : memref<64x768xf32, #tpu.memory_space<vmem>>) offsets(%dma_start3A_45 : memref<64xi32, #tpu.memory_space<vmem>>) semaphore(%run_scoped3A_43 : memref<!tpu.dma_semaphore, #tpu.memory_space<semaphore_mem>>)
        %dma_wait3A_49 = tpu.memref_slice %arg5[%run_scoped3A, %mul3A_21] : memref<1x512xi32, #tpu.memory_space<vmem>> -> memref<1x64xi32, #tpu.memory_space<vmem>>
        %dma_wait3A_50 = tpu.memref_squeeze %dma_wait3A_49 : memref<1x64xi32, #tpu.memory_space<vmem>> -> memref<64xi32, #tpu.memory_space<vmem>>
        %dma_wait3A_51 = arith.constant 0 : i32
        %dma_wait3A_52 = arith.constant 0 : i32
        %dma_wait3A_53 = tpu.memref_slice %arg2[%dma_wait3A_51, %dma_wait3A_52] : memref<32768x768xf32, #tpu.memory_space<hbm>> -> memref<32768x768xf32, #tpu.memory_space<hbm>>
        tpu.wait_indirect_dma semaphore(%run_scoped3A_43 : memref<!tpu.dma_semaphore, #tpu.memory_space<semaphore_mem>>) src(%dma_wait3A_53 : memref<32768x768xf32, #tpu.memory_space<hbm>>) dst(%arg6 : memref<64x768xf32, #tpu.memory_space<vmem>>)
        tpu.yield
      }) : () -> ()
      %add3A_24 = arith.addi %mul3A_2, %mul3A_21 : i32
      %dma_start3A_25 = arith.constant 0 : i32
      %dma_start3A_26 = tpu.memref_slice %arg4[%add3A_24, %dma_start3A_25] : memref<16384x768xf32, #tpu.memory_space<hbm>> -> memref<64x768xf32, #tpu.memory_space<hbm>>
      %dma_start3A_27 = arith.constant 0 : i32
      %dma_start3A_28 = tpu.memref_slice %arg4[%add3A_24, %dma_start3A_27] : memref<16384x768xf32, #tpu.memory_space<hbm>> -> memref<64x768xf32, #tpu.memory_space<hbm>>
      tpu.enqueue_dma source(%arg6 : memref<64x768xf32, #tpu.memory_space<vmem>>) target(%dma_start3A_28 : memref<64x768xf32, #tpu.memory_space<hbm>>) target_semaphore(%arg9 : memref<!tpu.dma_semaphore, #tpu.memory_space<semaphore_mem>>)
      %run_scoped3A_29 = arith.constant 0 : i32
      "tpu.region"() ({
        %run_scoped3A_43 = tpu.sem_alloc : memref<!tpu.dma_semaphore, #tpu.memory_space<semaphore_mem>>
        %dma_start3A_44 = tpu.memref_slice %arg5[%run_scoped3A_29, %add3A_23] : memref<1x512xi32, #tpu.memory_space<vmem>> -> memref<1x64xi32, #tpu.memory_space<vmem>>
        %dma_start3A_45 = tpu.memref_squeeze %dma_start3A_44 : memref<1x64xi32, #tpu.memory_space<vmem>> -> memref<64xi32, #tpu.memory_space<vmem>>
        %dma_start3A_46 = arith.constant 0 : i32
        %dma_start3A_47 = arith.constant 0 : i32
        %dma_start3A_48 = tpu.memref_slice %arg2[%dma_start3A_46, %dma_start3A_47] : memref<32768x768xf32, #tpu.memory_space<hbm>> -> memref<32768x768xf32, #tpu.memory_space<hbm>>
        tpu.enqueue_indirect_dma source(%dma_start3A_48 : memref<32768x768xf32, #tpu.memory_space<hbm>>) target(%arg7 : memref<64x768xf32, #tpu.memory_space<vmem>>) offsets(%dma_start3A_45 : memref<64xi32, #tpu.memory_space<vmem>>) semaphore(%run_scoped3A_43 : memref<!tpu.dma_semaphore, #tpu.memory_space<semaphore_mem>>)
        %dma_wait3A_49 = tpu.memref_slice %arg5[%run_scoped3A_29, %add3A_23] : memref<1x512xi32, #tpu.memory_space<vmem>> -> memref<1x64xi32, #tpu.memory_space<vmem>>
        %dma_wait3A_50 = tpu.memref_squeeze %dma_wait3A_49 : memref<1x64xi32, #tpu.memory_space<vmem>> -> memref<64xi32, #tpu.memory_space<vmem>>
        %dma_wait3A_51 = arith.constant 0 : i32
        %dma_wait3A_52 = arith.constant 0 : i32
        %dma_wait3A_53 = tpu.memref_slice %arg2[%dma_wait3A_51, %dma_wait3A_52] : memref<32768x768xf32, #tpu.memory_space<hbm>> -> memref<32768x768xf32, #tpu.memory_space<hbm>>
        tpu.wait_indirect_dma semaphore(%run_scoped3A_43 : memref<!tpu.dma_semaphore, #tpu.memory_space<semaphore_mem>>) src(%dma_wait3A_53 : memref<32768x768xf32, #tpu.memory_space<hbm>>) dst(%arg7 : memref<64x768xf32, #tpu.memory_space<vmem>>)
        tpu.yield
      }) : () -> ()
      %add3A_30 = arith.addi %mul3A_2, %add3A_23 : i32
      %dma_start3A_31 = arith.constant 0 : i32
      %dma_start3A_32 = tpu.memref_slice %arg4[%add3A_30, %dma_start3A_31] : memref<16384x768xf32, #tpu.memory_space<hbm>> -> memref<64x768xf32, #tpu.memory_space<hbm>>
      %dma_start3A_33 = arith.constant 0 : i32
      %dma_start3A_34 = tpu.memref_slice %arg4[%add3A_30, %dma_start3A_33] : memref<16384x768xf32, #tpu.memory_space<hbm>> -> memref<64x768xf32, #tpu.memory_space<hbm>>
      tpu.enqueue_dma source(%arg7 : memref<64x768xf32, #tpu.memory_space<vmem>>) target(%dma_start3A_34 : memref<64x768xf32, #tpu.memory_space<hbm>>) target_semaphore(%arg10 : memref<!tpu.dma_semaphore, #tpu.memory_space<semaphore_mem>>)
      %dma_wait3A_35 = arith.constant 0 : i32
      %dma_wait3A_36 = tpu.memref_slice %arg4[%add3A_24, %dma_wait3A_35] : memref<16384x768xf32, #tpu.memory_space<hbm>> -> memref<64x768xf32, #tpu.memory_space<hbm>>
      %dma_wait3A_37 = arith.constant 0 : i32
      %dma_wait3A_38 = tpu.memref_slice %arg4[%add3A_24, %dma_wait3A_37] : memref<16384x768xf32, #tpu.memory_space<hbm>> -> memref<64x768xf32, #tpu.memory_space<hbm>>
      tpu.wait_dma2 semaphore(%arg9 : memref<!tpu.dma_semaphore, #tpu.memory_space<semaphore_mem>>) src(%arg6 : memref<64x768xf32, #tpu.memory_space<vmem>>) dst(%dma_wait3A_38 : memref<64x768xf32, #tpu.memory_space<hbm>>)
      %dma_wait3A_39 = arith.constant 0 : i32
      %dma_wait3A_40 = tpu.memref_slice %arg4[%add3A_30, %dma_wait3A_39] : memref<16384x768xf32, #tpu.memory_space<hbm>> -> memref<64x768xf32, #tpu.memory_space<hbm>>
      %dma_wait3A_41 = arith.constant 0 : i32
      %dma_wait3A_42 = tpu.memref_slice %arg4[%add3A_30, %dma_wait3A_41] : memref<16384x768xf32, #tpu.memory_space<hbm>> -> memref<64x768xf32, #tpu.memory_space<hbm>>
      tpu.wait_dma2 semaphore(%arg10 : memref<!tpu.dma_semaphore, #tpu.memory_space<semaphore_mem>>) src(%arg7 : memref<64x768xf32, #tpu.memory_space<vmem>>) dst(%dma_wait3A_42 : memref<64x768xf32, #tpu.memory_space<hbm>>)
    }
    %scan3A_12 = arith.constant 4 : i32
    return
  }
}

module attributes {stable_mosaic.version = 14 : i64} {
  func.func @_tc_moe_body(%arg0: i32, %arg1: memref<1024x8xi32, #tpu.memory_space<vmem>>, %arg2: memref<1024x768xf32, #tpu.memory_space<vmem>>, %arg3: memref<5x768x768xbf16, #tpu.memory_space<vmem>>, %arg4: memref<5x768xf32, #tpu.memory_space<vmem>>, %arg5: memref<1024x768xf32, #tpu.memory_space<vmem>>) attributes {dimension_semantics = [#tpu.dimension_semantics<arbitrary>], iteration_bounds = array<i64: 16>, scalar_prefetch = 0 : i64, scratch_operands = 0 : i64, tpu.core_type = #tpu.core_type<tc>, window_params = [{transform_indices = @transform_0, window_bounds = array<i64: 1024, 8>}, {transform_indices = @transform_1, window_bounds = array<i64: 1024, 768>}, {pipeline_mode = #tpu.pipeline_mode<synchronous>, transform_indices = @transform_2, window_bounds = array<i64: 5, 768, 768>}, {pipeline_mode = #tpu.pipeline_mode<synchronous>, transform_indices = @transform_3, window_bounds = array<i64: 5, 768>}, {transform_indices = @transform_4, window_bounds = array<i64: 1024, 768>}]} {
    %get3A = arith.constant 0 : index
    %get3A_0 = arith.constant 0 : index
    %get3A_1 = vector.load %arg2[%get3A, %get3A_0] : memref<1024x768xf32, #tpu.memory_space<vmem>>, vector<1024x768xf32>
    %convert_element_type3A = arith.truncf %get3A_1 : vector<1024x768xf32> to vector<1024x768xbf16>
    %get3A_2 = arith.constant 0 : index
    %get3A_3 = arith.constant 0 : index
    %get3A_4 = vector.load %arg1[%get3A_2, %get3A_3] : memref<1024x8xi32, #tpu.memory_space<vmem>>, vector<1024x8xi32>
    %iota3A = tpu.iota {dimensions = array<i32: 1>} : vector<1024x8xi32>
    %add3A = arith.constant 1 : i32
    %add3A_5 = vector.broadcast %add3A : i32 to vector<1024x8xi32>
    %add3A_6 = arith.addi %iota3A, %add3A_5 : vector<1024x8xi32>
    %mul3A = arith.muli %add3A_6, %get3A_4 : vector<1024x8xi32>
    %reduce_max3A = arith.constant dense<-2147483648> : vector<1024xi32>
    %reduce_max3A_7 = vector.multi_reduction <maxsi>, %mul3A, %reduce_max3A [1] : vector<1024x8xi32> to vector<1024xi32>
    %broadcast_in_dim3A = vector.shape_cast %reduce_max3A_7 : vector<1024xi32> to vector<1024x1xi32>
    %sub3A = arith.constant 1 : i32
    %sub3A_8 = vector.broadcast %sub3A : i32 to vector<1024x1xi32>
    %sub3A_9 = arith.subi %broadcast_in_dim3A, %sub3A_8 : vector<1024x1xi32>
    %broadcast_in_dim3A_10 = arith.constant 0.000000e+00 : f32
    %broadcast_in_dim3A_11 = vector.broadcast %broadcast_in_dim3A_10 : f32 to vector<1024x768xf32>
    %get3A_12 = arith.constant 0 : index
    %get3A_13 = arith.constant 0 : index
    %get3A_14 = arith.constant 0 : index
    %get3A_15 = vector.load %arg3[%get3A_12, %get3A_13, %get3A_14] : memref<5x768x768xbf16, #tpu.memory_space<vmem>>, vector<1x768x768xbf16>
    %get3A_16 = vector.shape_cast %get3A_15 : vector<1x768x768xbf16> to vector<768x768xbf16>
    %dot_general3A = arith.constant dense<0.000000e+00> : vector<1024x768xf32>
    %dot_general3A_17 = tpu.matmul %convert_element_type3A, %get3A_16, %dot_general3A {dimension_numbers = #tpu.dot_dimension_numbers<[1], [0], [0], [1], [0, 0, 1, 1], [], []>, transpose_lhs_hint = false} : vector<1024x768xbf16>, vector<768x768xbf16>, vector<1024x768xf32> -> vector<1024x768xf32>
    %get3A_18 = arith.constant 0 : index
    %get3A_19 = arith.constant 0 : index
    %get3A_20 = vector.load %arg4[%get3A_18, %get3A_19] : memref<5x768xf32, #tpu.memory_space<vmem>>, vector<1x768xf32>
    %add3A_21 = vector.broadcast %get3A_20 : vector<1x768xf32> to vector<1024x768xf32>
    %add3A_22 = arith.addf %dot_general3A_17, %add3A_21 : vector<1024x768xf32>
    %eq3A = arith.constant 0 : i32
    %eq3A_23 = vector.broadcast %eq3A : i32 to vector<1024x1xi32>
    %eq3A_24 = arith.cmpi eq, %sub3A_9, %eq3A_23 : vector<1024x1xi32>
    %broadcast_in_dim3A_25 = vector.shape_cast %eq3A_24 : vector<1024x1xi1> to vector<1024x1xi1>
    %broadcast_in_dim3A_26 = vector.broadcast %broadcast_in_dim3A_25 : vector<1024x1xi1> to vector<1024x768xi1>
    %select_n3A = arith.select %broadcast_in_dim3A_26, %add3A_22, %broadcast_in_dim3A_11 : vector<1024x768xi1>, vector<1024x768xf32>
    %get3A_27 = arith.constant 1 : index
    %get3A_28 = arith.constant 0 : index
    %get3A_29 = arith.constant 0 : index
    %get3A_30 = vector.load %arg3[%get3A_27, %get3A_28, %get3A_29] : memref<5x768x768xbf16, #tpu.memory_space<vmem>>, vector<1x768x768xbf16>
    %get3A_31 = vector.shape_cast %get3A_30 : vector<1x768x768xbf16> to vector<768x768xbf16>
    %dot_general3A_32 = arith.constant dense<0.000000e+00> : vector<1024x768xf32>
    %dot_general3A_33 = tpu.matmul %convert_element_type3A, %get3A_31, %dot_general3A_32 {dimension_numbers = #tpu.dot_dimension_numbers<[1], [0], [0], [1], [0, 0, 1, 1], [], []>, transpose_lhs_hint = false} : vector<1024x768xbf16>, vector<768x768xbf16>, vector<1024x768xf32> -> vector<1024x768xf32>
    %get3A_34 = arith.constant 1 : index
    %get3A_35 = arith.constant 0 : index
    %get3A_36 = vector.load %arg4[%get3A_34, %get3A_35] : memref<5x768xf32, #tpu.memory_space<vmem>>, vector<1x768xf32>
    %add3A_37 = vector.broadcast %get3A_36 : vector<1x768xf32> to vector<1024x768xf32>
    %add3A_38 = arith.addf %dot_general3A_33, %add3A_37 : vector<1024x768xf32>
    %eq3A_39 = arith.constant 1 : i32
    %eq3A_40 = vector.broadcast %eq3A_39 : i32 to vector<1024x1xi32>
    %eq3A_41 = arith.cmpi eq, %sub3A_9, %eq3A_40 : vector<1024x1xi32>
    %broadcast_in_dim3A_42 = vector.shape_cast %eq3A_41 : vector<1024x1xi1> to vector<1024x1xi1>
    %broadcast_in_dim3A_43 = vector.broadcast %broadcast_in_dim3A_42 : vector<1024x1xi1> to vector<1024x768xi1>
    %select_n3A_44 = arith.select %broadcast_in_dim3A_43, %add3A_38, %select_n3A : vector<1024x768xi1>, vector<1024x768xf32>
    %get3A_45 = arith.constant 2 : index
    %get3A_46 = arith.constant 0 : index
    %get3A_47 = arith.constant 0 : index
    %get3A_48 = vector.load %arg3[%get3A_45, %get3A_46, %get3A_47] : memref<5x768x768xbf16, #tpu.memory_space<vmem>>, vector<1x768x768xbf16>
    %get3A_49 = vector.shape_cast %get3A_48 : vector<1x768x768xbf16> to vector<768x768xbf16>
    %dot_general3A_50 = arith.constant dense<0.000000e+00> : vector<1024x768xf32>
    %dot_general3A_51 = tpu.matmul %convert_element_type3A, %get3A_49, %dot_general3A_50 {dimension_numbers = #tpu.dot_dimension_numbers<[1], [0], [0], [1], [0, 0, 1, 1], [], []>, transpose_lhs_hint = false} : vector<1024x768xbf16>, vector<768x768xbf16>, vector<1024x768xf32> -> vector<1024x768xf32>
    %get3A_52 = arith.constant 2 : index
    %get3A_53 = arith.constant 0 : index
    %get3A_54 = vector.load %arg4[%get3A_52, %get3A_53] : memref<5x768xf32, #tpu.memory_space<vmem>>, vector<1x768xf32>
    %add3A_55 = vector.broadcast %get3A_54 : vector<1x768xf32> to vector<1024x768xf32>
    %add3A_56 = arith.addf %dot_general3A_51, %add3A_55 : vector<1024x768xf32>
    %eq3A_57 = arith.constant 2 : i32
    %eq3A_58 = vector.broadcast %eq3A_57 : i32 to vector<1024x1xi32>
    %eq3A_59 = arith.cmpi eq, %sub3A_9, %eq3A_58 : vector<1024x1xi32>
    %broadcast_in_dim3A_60 = vector.shape_cast %eq3A_59 : vector<1024x1xi1> to vector<1024x1xi1>
    %broadcast_in_dim3A_61 = vector.broadcast %broadcast_in_dim3A_60 : vector<1024x1xi1> to vector<1024x768xi1>
    %select_n3A_62 = arith.select %broadcast_in_dim3A_61, %add3A_56, %select_n3A_44 : vector<1024x768xi1>, vector<1024x768xf32>
    %get3A_63 = arith.constant 3 : index
    %get3A_64 = arith.constant 0 : index
    %get3A_65 = arith.constant 0 : index
    %get3A_66 = vector.load %arg3[%get3A_63, %get3A_64, %get3A_65] : memref<5x768x768xbf16, #tpu.memory_space<vmem>>, vector<1x768x768xbf16>
    %get3A_67 = vector.shape_cast %get3A_66 : vector<1x768x768xbf16> to vector<768x768xbf16>
    %dot_general3A_68 = arith.constant dense<0.000000e+00> : vector<1024x768xf32>
    %dot_general3A_69 = tpu.matmul %convert_element_type3A, %get3A_67, %dot_general3A_68 {dimension_numbers = #tpu.dot_dimension_numbers<[1], [0], [0], [1], [0, 0, 1, 1], [], []>, transpose_lhs_hint = false} : vector<1024x768xbf16>, vector<768x768xbf16>, vector<1024x768xf32> -> vector<1024x768xf32>
    %get3A_70 = arith.constant 3 : index
    %get3A_71 = arith.constant 0 : index
    %get3A_72 = vector.load %arg4[%get3A_70, %get3A_71] : memref<5x768xf32, #tpu.memory_space<vmem>>, vector<1x768xf32>
    %add3A_73 = vector.broadcast %get3A_72 : vector<1x768xf32> to vector<1024x768xf32>
    %add3A_74 = arith.addf %dot_general3A_69, %add3A_73 : vector<1024x768xf32>
    %eq3A_75 = arith.constant 3 : i32
    %eq3A_76 = vector.broadcast %eq3A_75 : i32 to vector<1024x1xi32>
    %eq3A_77 = arith.cmpi eq, %sub3A_9, %eq3A_76 : vector<1024x1xi32>
    %broadcast_in_dim3A_78 = vector.shape_cast %eq3A_77 : vector<1024x1xi1> to vector<1024x1xi1>
    %broadcast_in_dim3A_79 = vector.broadcast %broadcast_in_dim3A_78 : vector<1024x1xi1> to vector<1024x768xi1>
    %select_n3A_80 = arith.select %broadcast_in_dim3A_79, %add3A_74, %select_n3A_62 : vector<1024x768xi1>, vector<1024x768xf32>
    %get3A_81 = arith.constant 4 : index
    %get3A_82 = arith.constant 0 : index
    %get3A_83 = arith.constant 0 : index
    %get3A_84 = vector.load %arg3[%get3A_81, %get3A_82, %get3A_83] : memref<5x768x768xbf16, #tpu.memory_space<vmem>>, vector<1x768x768xbf16>
    %get3A_85 = vector.shape_cast %get3A_84 : vector<1x768x768xbf16> to vector<768x768xbf16>
    %dot_general3A_86 = arith.constant dense<0.000000e+00> : vector<1024x768xf32>
    %dot_general3A_87 = tpu.matmul %convert_element_type3A, %get3A_85, %dot_general3A_86 {dimension_numbers = #tpu.dot_dimension_numbers<[1], [0], [0], [1], [0, 0, 1, 1], [], []>, transpose_lhs_hint = false} : vector<1024x768xbf16>, vector<768x768xbf16>, vector<1024x768xf32> -> vector<1024x768xf32>
    %get3A_88 = arith.constant 4 : index
    %get3A_89 = arith.constant 0 : index
    %get3A_90 = vector.load %arg4[%get3A_88, %get3A_89] : memref<5x768xf32, #tpu.memory_space<vmem>>, vector<1x768xf32>
    %add3A_91 = vector.broadcast %get3A_90 : vector<1x768xf32> to vector<1024x768xf32>
    %add3A_92 = arith.addf %dot_general3A_87, %add3A_91 : vector<1024x768xf32>
    %eq3A_93 = arith.constant 4 : i32
    %eq3A_94 = vector.broadcast %eq3A_93 : i32 to vector<1024x1xi32>
    %eq3A_95 = arith.cmpi eq, %sub3A_9, %eq3A_94 : vector<1024x1xi32>
    %broadcast_in_dim3A_96 = vector.shape_cast %eq3A_95 : vector<1024x1xi1> to vector<1024x1xi1>
    %broadcast_in_dim3A_97 = vector.broadcast %broadcast_in_dim3A_96 : vector<1024x1xi1> to vector<1024x768xi1>
    %select_n3A_98 = arith.select %broadcast_in_dim3A_97, %add3A_92, %select_n3A_80 : vector<1024x768xi1>, vector<1024x768xf32>
    %swap3A = arith.constant 0 : index
    %swap3A_99 = arith.constant 0 : index
    %swap3A_100 = vector.load %arg5[%swap3A, %swap3A_99] : memref<1024x768xf32, #tpu.memory_space<vmem>>, vector<1024x768xf32>
    tpu.vector_store %arg5[%swap3A, %swap3A_99], %select_n3A_98 {strides = array<i32>} : memref<1024x768xf32, #tpu.memory_space<vmem>>, vector<1024x768xf32>,
    return
  }
  func.func @transform_0(%arg0: i32) -> (i32, i32) {
    %c0_i32 = arith.constant 0 : i32
    %c0_i32_0 = arith.constant 0 : i32
    return %arg0, %c0_i32 : i32, i32
  }
  func.func @transform_1(%arg0: i32) -> (i32, i32) {
    %c0_i32 = arith.constant 0 : i32
    %c0_i32_0 = arith.constant 0 : i32
    return %arg0, %c0_i32 : i32, i32
  }
  func.func @transform_2(%arg0: i32) -> (i32, i32, i32) {
    %c0_i32 = arith.constant 0 : i32
    %c0_i32_0 = arith.constant 0 : i32
    %c0_i32_1 = arith.constant 0 : i32
    %c0_i32_2 = arith.constant 0 : i32
    return %c0_i32, %c0_i32_0, %c0_i32_1 : i32, i32, i32
  }
  func.func @transform_3(%arg0: i32) -> (i32, i32) {
    %c0_i32 = arith.constant 0 : i32
    %c0_i32_0 = arith.constant 0 : i32
    %c0_i32_1 = arith.constant 0 : i32
    return %c0_i32, %c0_i32_0 : i32, i32
  }
  func.func @transform_4(%arg0: i32) -> (i32, i32) {
    %add3A = arith.constant 0 : i32
    %add3A_0 = arith.addi %arg0, %add3A : i32
    %c0_i32 = arith.constant 0 : i32
    %c0_i32_1 = arith.constant 0 : i32
    return %add3A_0, %c0_i32 : i32, i32
  }
}

module attributes {stable_mosaic.version = 14 : i64} {
  func.func @_lambda_(%arg0: i32, %arg1: memref<32768x768xf32, #tpu.memory_space<hbm>>, %arg2: memref<1024x8xi32, #tpu.memory_space<vmem>>, %arg3: memref<1024x768xf32, #tpu.memory_space<vmem>>, %arg4: memref<5x768x768xbf16, #tpu.memory_space<vmem>>, %arg5: memref<5x768xf32, #tpu.memory_space<vmem>>, %arg6: memref<1024x768xf32, #tpu.memory_space<vmem>>) attributes {dimension_semantics = [#tpu.dimension_semantics<arbitrary>], iteration_bounds = array<i64: 16>, scalar_prefetch = 0 : i64, scratch_operands = 0 : i64, tpu.core_type = #tpu.core_type<tc>, window_params = [{}, {transform_indices = @transform_1, window_bounds = array<i64: 1024, 8>}, {transform_indices = @transform_2, window_bounds = array<i64: 1024, 768>}, {pipeline_mode = #tpu.pipeline_mode<synchronous>, transform_indices = @transform_3, window_bounds = array<i64: 5, 768, 768>}, {pipeline_mode = #tpu.pipeline_mode<synchronous>, transform_indices = @transform_4, window_bounds = array<i64: 5, 768>}, {transform_indices = @transform_5, window_bounds = array<i64: 1024, 768>}]} {
    %get3A = arith.constant 0 : index
    %get3A_0 = arith.constant 0 : index
    %get3A_1 = vector.load %arg3[%get3A, %get3A_0] : memref<1024x768xf32, #tpu.memory_space<vmem>>, vector<1024x768xf32>
    %convert_element_type3A = arith.truncf %get3A_1 : vector<1024x768xf32> to vector<1024x768xbf16>
    %get3A_2 = arith.constant 0 : index
    %get3A_3 = arith.constant 0 : index
    %get3A_4 = vector.load %arg2[%get3A_2, %get3A_3] : memref<1024x8xi32, #tpu.memory_space<vmem>>, vector<1024x8xi32>
    %iota3A = tpu.iota {dimensions = array<i32: 1>} : vector<1024x8xi32>
    %add3A = arith.constant 1 : i32
    %add3A_5 = vector.broadcast %add3A : i32 to vector<1024x8xi32>
    %add3A_6 = arith.addi %iota3A, %add3A_5 : vector<1024x8xi32>
    %mul3A = arith.muli %add3A_6, %get3A_4 : vector<1024x8xi32>
    %reduce_max3A = arith.constant dense<-2147483648> : vector<1024xi32>
    %reduce_max3A_7 = vector.multi_reduction <maxsi>, %mul3A, %reduce_max3A [1] : vector<1024x8xi32> to vector<1024xi32>
    %broadcast_in_dim3A = vector.shape_cast %reduce_max3A_7 : vector<1024xi32> to vector<1024x1xi32>
    %sub3A = arith.constant 1 : i32
    %sub3A_8 = vector.broadcast %sub3A : i32 to vector<1024x1xi32>
    %sub3A_9 = arith.subi %broadcast_in_dim3A, %sub3A_8 : vector<1024x1xi32>
    %broadcast_in_dim3A_10 = arith.constant 0.000000e+00 : f32
    %broadcast_in_dim3A_11 = vector.broadcast %broadcast_in_dim3A_10 : f32 to vector<1024x768xf32>
    %get3A_12 = arith.constant 0 : index
    %get3A_13 = arith.constant 0 : index
    %get3A_14 = arith.constant 0 : index
    %get3A_15 = vector.load %arg4[%get3A_12, %get3A_13, %get3A_14] : memref<5x768x768xbf16, #tpu.memory_space<vmem>>, vector<1x768x768xbf16>
    %get3A_16 = vector.shape_cast %get3A_15 : vector<1x768x768xbf16> to vector<768x768xbf16>
    %dot_general3A = arith.constant dense<0.000000e+00> : vector<1024x768xf32>
    %dot_general3A_17 = tpu.matmul %convert_element_type3A, %get3A_16, %dot_general3A {dimension_numbers = #tpu.dot_dimension_numbers<[1], [0], [0], [1], [0, 0, 1, 1], [], []>, transpose_lhs_hint = false} : vector<1024x768xbf16>, vector<768x768xbf16>, vector<1024x768xf32> -> vector<1024x768xf32>
    %get3A_18 = arith.constant 0 : index
    %get3A_19 = arith.constant 0 : index
    %get3A_20 = vector.load %arg5[%get3A_18, %get3A_19] : memref<5x768xf32, #tpu.memory_space<vmem>>, vector<1x768xf32>
    %add3A_21 = vector.broadcast %get3A_20 : vector<1x768xf32> to vector<1024x768xf32>
    %add3A_22 = arith.addf %dot_general3A_17, %add3A_21 : vector<1024x768xf32>
    %eq3A = arith.constant 0 : i32
    %eq3A_23 = vector.broadcast %eq3A : i32 to vector<1024x1xi32>
    %eq3A_24 = arith.cmpi eq, %sub3A_9, %eq3A_23 : vector<1024x1xi32>
    %broadcast_in_dim3A_25 = vector.shape_cast %eq3A_24 : vector<1024x1xi1> to vector<1024x1xi1>
    %broadcast_in_dim3A_26 = vector.broadcast %broadcast_in_dim3A_25 : vector<1024x1xi1> to vector<1024x768xi1>
    %select_n3A = arith.select %broadcast_in_dim3A_26, %add3A_22, %broadcast_in_dim3A_11 : vector<1024x768xi1>, vector<1024x768xf32>
    %get3A_27 = arith.constant 1 : index
    %get3A_28 = arith.constant 0 : index
    %get3A_29 = arith.constant 0 : index
    %get3A_30 = vector.load %arg4[%get3A_27, %get3A_28, %get3A_29] : memref<5x768x768xbf16, #tpu.memory_space<vmem>>, vector<1x768x768xbf16>
    %get3A_31 = vector.shape_cast %get3A_30 : vector<1x768x768xbf16> to vector<768x768xbf16>
    %dot_general3A_32 = arith.constant dense<0.000000e+00> : vector<1024x768xf32>
    %dot_general3A_33 = tpu.matmul %convert_element_type3A, %get3A_31, %dot_general3A_32 {dimension_numbers = #tpu.dot_dimension_numbers<[1], [0], [0], [1], [0, 0, 1, 1], [], []>, transpose_lhs_hint = false} : vector<1024x768xbf16>, vector<768x768xbf16>, vector<1024x768xf32> -> vector<1024x768xf32>
    %get3A_34 = arith.constant 1 : index
    %get3A_35 = arith.constant 0 : index
    %get3A_36 = vector.load %arg5[%get3A_34, %get3A_35] : memref<5x768xf32, #tpu.memory_space<vmem>>, vector<1x768xf32>
    %add3A_37 = vector.broadcast %get3A_36 : vector<1x768xf32> to vector<1024x768xf32>
    %add3A_38 = arith.addf %dot_general3A_33, %add3A_37 : vector<1024x768xf32>
    %eq3A_39 = arith.constant 1 : i32
    %eq3A_40 = vector.broadcast %eq3A_39 : i32 to vector<1024x1xi32>
    %eq3A_41 = arith.cmpi eq, %sub3A_9, %eq3A_40 : vector<1024x1xi32>
    %broadcast_in_dim3A_42 = vector.shape_cast %eq3A_41 : vector<1024x1xi1> to vector<1024x1xi1>
    %broadcast_in_dim3A_43 = vector.broadcast %broadcast_in_dim3A_42 : vector<1024x1xi1> to vector<1024x768xi1>
    %select_n3A_44 = arith.select %broadcast_in_dim3A_43, %add3A_38, %select_n3A : vector<1024x768xi1>, vector<1024x768xf32>
    %get3A_45 = arith.constant 2 : index
    %get3A_46 = arith.constant 0 : index
    %get3A_47 = arith.constant 0 : index
    %get3A_48 = vector.load %arg4[%get3A_45, %get3A_46, %get3A_47] : memref<5x768x768xbf16, #tpu.memory_space<vmem>>, vector<1x768x768xbf16>
    %get3A_49 = vector.shape_cast %get3A_48 : vector<1x768x768xbf16> to vector<768x768xbf16>
    %dot_general3A_50 = arith.constant dense<0.000000e+00> : vector<1024x768xf32>
    %dot_general3A_51 = tpu.matmul %convert_element_type3A, %get3A_49, %dot_general3A_50 {dimension_numbers = #tpu.dot_dimension_numbers<[1], [0], [0], [1], [0, 0, 1, 1], [], []>, transpose_lhs_hint = false} : vector<1024x768xbf16>, vector<768x768xbf16>, vector<1024x768xf32> -> vector<1024x768xf32>
    %get3A_52 = arith.constant 2 : index
    %get3A_53 = arith.constant 0 : index
    %get3A_54 = vector.load %arg5[%get3A_52, %get3A_53] : memref<5x768xf32, #tpu.memory_space<vmem>>, vector<1x768xf32>
    %add3A_55 = vector.broadcast %get3A_54 : vector<1x768xf32> to vector<1024x768xf32>
    %add3A_56 = arith.addf %dot_general3A_51, %add3A_55 : vector<1024x768xf32>
    %eq3A_57 = arith.constant 2 : i32
    %eq3A_58 = vector.broadcast %eq3A_57 : i32 to vector<1024x1xi32>
    %eq3A_59 = arith.cmpi eq, %sub3A_9, %eq3A_58 : vector<1024x1xi32>
    %broadcast_in_dim3A_60 = vector.shape_cast %eq3A_59 : vector<1024x1xi1> to vector<1024x1xi1>
    %broadcast_in_dim3A_61 = vector.broadcast %broadcast_in_dim3A_60 : vector<1024x1xi1> to vector<1024x768xi1>
    %select_n3A_62 = arith.select %broadcast_in_dim3A_61, %add3A_56, %select_n3A_44 : vector<1024x768xi1>, vector<1024x768xf32>
    %get3A_63 = arith.constant 3 : index
    %get3A_64 = arith.constant 0 : index
    %get3A_65 = arith.constant 0 : index
    %get3A_66 = vector.load %arg4[%get3A_63, %get3A_64, %get3A_65] : memref<5x768x768xbf16, #tpu.memory_space<vmem>>, vector<1x768x768xbf16>
    %get3A_67 = vector.shape_cast %get3A_66 : vector<1x768x768xbf16> to vector<768x768xbf16>
    %dot_general3A_68 = arith.constant dense<0.000000e+00> : vector<1024x768xf32>
    %dot_general3A_69 = tpu.matmul %convert_element_type3A, %get3A_67, %dot_general3A_68 {dimension_numbers = #tpu.dot_dimension_numbers<[1], [0], [0], [1], [0, 0, 1, 1], [], []>, transpose_lhs_hint = false} : vector<1024x768xbf16>, vector<768x768xbf16>, vector<1024x768xf32> -> vector<1024x768xf32>
    %get3A_70 = arith.constant 3 : index
    %get3A_71 = arith.constant 0 : index
    %get3A_72 = vector.load %arg5[%get3A_70, %get3A_71] : memref<5x768xf32, #tpu.memory_space<vmem>>, vector<1x768xf32>
    %add3A_73 = vector.broadcast %get3A_72 : vector<1x768xf32> to vector<1024x768xf32>
    %add3A_74 = arith.addf %dot_general3A_69, %add3A_73 : vector<1024x768xf32>
    %eq3A_75 = arith.constant 3 : i32
    %eq3A_76 = vector.broadcast %eq3A_75 : i32 to vector<1024x1xi32>
    %eq3A_77 = arith.cmpi eq, %sub3A_9, %eq3A_76 : vector<1024x1xi32>
    %broadcast_in_dim3A_78 = vector.shape_cast %eq3A_77 : vector<1024x1xi1> to vector<1024x1xi1>
    %broadcast_in_dim3A_79 = vector.broadcast %broadcast_in_dim3A_78 : vector<1024x1xi1> to vector<1024x768xi1>
    %select_n3A_80 = arith.select %broadcast_in_dim3A_79, %add3A_74, %select_n3A_62 : vector<1024x768xi1>, vector<1024x768xf32>
    %get3A_81 = arith.constant 4 : index
    %get3A_82 = arith.constant 0 : index
    %get3A_83 = arith.constant 0 : index
    %get3A_84 = vector.load %arg4[%get3A_81, %get3A_82, %get3A_83] : memref<5x768x768xbf16, #tpu.memory_space<vmem>>, vector<1x768x768xbf16>
    %get3A_85 = vector.shape_cast %get3A_84 : vector<1x768x768xbf16> to vector<768x768xbf16>
    %dot_general3A_86 = arith.constant dense<0.000000e+00> : vector<1024x768xf32>
    %dot_general3A_87 = tpu.matmul %convert_element_type3A, %get3A_85, %dot_general3A_86 {dimension_numbers = #tpu.dot_dimension_numbers<[1], [0], [0], [1], [0, 0, 1, 1], [], []>, transpose_lhs_hint = false} : vector<1024x768xbf16>, vector<768x768xbf16>, vector<1024x768xf32> -> vector<1024x768xf32>
    %get3A_88 = arith.constant 4 : index
    %get3A_89 = arith.constant 0 : index
    %get3A_90 = vector.load %arg5[%get3A_88, %get3A_89] : memref<5x768xf32, #tpu.memory_space<vmem>>, vector<1x768xf32>
    %add3A_91 = vector.broadcast %get3A_90 : vector<1x768xf32> to vector<1024x768xf32>
    %add3A_92 = arith.addf %dot_general3A_87, %add3A_91 : vector<1024x768xf32>
    %eq3A_93 = arith.constant 4 : i32
    %eq3A_94 = vector.broadcast %eq3A_93 : i32 to vector<1024x1xi32>
    %eq3A_95 = arith.cmpi eq, %sub3A_9, %eq3A_94 : vector<1024x1xi32>
    %broadcast_in_dim3A_96 = vector.shape_cast %eq3A_95 : vector<1024x1xi1> to vector<1024x1xi1>
    %broadcast_in_dim3A_97 = vector.broadcast %broadcast_in_dim3A_96 : vector<1024x1xi1> to vector<1024x768xi1>
    %select_n3A_98 = arith.select %broadcast_in_dim3A_97, %add3A_92, %select_n3A_80 : vector<1024x768xi1>, vector<1024x768xf32>
    %swap3A = arith.constant 0 : index
    %swap3A_99 = arith.constant 0 : index
    %swap3A_100 = vector.load %arg6[%swap3A, %swap3A_99] : memref<1024x768xf32, #tpu.memory_space<vmem>>, vector<1024x768xf32>
    tpu.vector_store %arg6[%swap3A, %swap3A_99], %select_n3A_98 {strides = array<i32>} : memref<1024x768xf32, #tpu.memory_space<vmem>>, vector<1024x768xf32>,
    return
  }
  func.func @transform_1(%arg0: i32) -> (i32, i32) {
    %c0_i32 = arith.constant 0 : i32
    %c0_i32_0 = arith.constant 0 : i32
    return %arg0, %c0_i32 : i32, i32
  }
  func.func @transform_2(%arg0: i32) -> (i32, i32) {
    %c0_i32 = arith.constant 0 : i32
    %c0_i32_0 = arith.constant 0 : i32
    return %arg0, %c0_i32 : i32, i32
  }
  func.func @transform_3(%arg0: i32) -> (i32, i32, i32) {
    %c0_i32 = arith.constant 0 : i32
    %c0_i32_0 = arith.constant 0 : i32
    %c0_i32_1 = arith.constant 0 : i32
    %c0_i32_2 = arith.constant 0 : i32
    return %c0_i32, %c0_i32_0, %c0_i32_1 : i32, i32, i32
  }
  func.func @transform_4(%arg0: i32) -> (i32, i32) {
    %c0_i32 = arith.constant 0 : i32
    %c0_i32_0 = arith.constant 0 : i32
    %c0_i32_1 = arith.constant 0 : i32
    return %c0_i32, %c0_i32_0 : i32, i32
  }
  func.func @transform_5(%arg0: i32) -> (i32, i32) {
    %add3A = arith.constant 16 : i32
    %add3A_0 = arith.addi %arg0, %add3A : i32
    %c0_i32 = arith.constant 0 : i32
    %c0_i32_1 = arith.constant 0 : i32
    return %add3A_0, %c0_i32 : i32, i32
  }
}

</mosaic_0001>

<sc_bundles>
// kernel: kernel.6.cloned.1.call-start
scs
__scs_entry_jumppad:
0x0: {  	(pc) =	sbr.rel $0x88, $3  }
0x1: {  	(tag) =	ssettag $0x0;
	lr =	simm.s32 $0x1  }
0x2: {  	[smem:$0x3F9C] =	sst lr;
	_ =	strace $0xD0000000  }
0x3: {  	_ = 	snop  }
0x4: {  	_ = 	snop  }
0x5: {  	_ = 	snop  }
0x6: {  	_ = 	snop  }
0x7: {  	_ = 	snop  }
__scs_overlays_trampoline_lowered:
0x8: {  	[smem:$0x3FAB] =	sst s0  }
0x9: {  	[smem:$0x3FAC] =	sst s1  }
0xa: {  	[smem:$0x3FAD] =	sst s2  }
0xb: {  	[smem:$0x3FAE] =	sst s3  }
0xc: {  	[smem:$0x3FAF] =	sst s4  }
0xd: {  	[smem:$0x3FB0] =	sst s5  }
0xe: {  	[smem:$0x3FB1] =	sst s6  }
0xf: {  	[smem:$0x3FB2] =	sst s7  }
0x10: {  	[smem:$0x3FB3] =	sst s8  }
0x11: {  	[smem:$0x3FB4] =	sst s9;
	s0 =	simm.s32 @!p0 $0x0  }
0x12: {  	s1 =	sld [smem:$0x3F9A];
	s0 =	simm.s32 @p0 $0x1  }
0x13: {  	[smem:$0x3FB5] =	sst s0;
	s0 =	simm.s32 @!p1 $0x0  }
0x14: {  	s2 =	sld [smem:$0x3F99];
	s0 =	simm.s32 @p1 $0x1  }
0x15: {  	[smem:$0x3FB6] =	sst s0;
	s0 =	simm.s32 @!p2 $0x0  }
0x16: {  	s3 =	sld [smem:$0x3FDB];
	s0 =	simm.s32 @p2 $0x1  }
0x17: {  	s4 =	simm.s32 $0x1BF5;
	[smem:$0x3FB8] =	sst s0  }
0x18: {  	s0 =	sld [smem:$0x3F9B];
	_ =	swait.ge [sflag:s4], $0x0  }
0x19: {  	s7 =	sld [smem:$0x3F9C]  }
0x1a: {  	s8 =	sadd.s32 $0xFFFFE003, lr  }
0x1b: {  	s9 =	sadd.s32 $0xFFFFFEF7, lr;
	s5 =	simm.s32 $0xFFFFFFFF;
	p2 =	slt.u32 s8, $0xFFFFF086  }
0x1c: {  	p1 =	slt.u32 s9, $0xF7A;
	s5 =	simm.s32 @!p2 $0x0  }
0x1d: {  	s5 =	simm.s32 @p1 $0x1;
	p0 =	seq.s32 s7, s2  }
0x1e: {  	s7 =	smul.u32 @!p0 $0xF7A, s2;
	p2 =	seq.s32 @!p0 s5, $0x0  }
0x1f: {  	s9 =	smul.u32 $0xF7A, s1;
	s8 =	simm.s32 @!p0 $0x1BF5;
	p2 =	por !p2, p0  }
0x20: {  	[sflag:s8] =	ssyncset.s32 @!p0 $0xFFFFF086;
	s6 =	sadd.s32 @!p0 s3, s7;
	s7 =	simm.s32 @!p0 $0x108  }
0x21: {  	s3 =	sadd.s32 s3, s9;
	s6 =	sadd.s32 @!p0 $0x88, s6;
	s7 =	simm.s32 @p2 $0x1082  }
0x22: {  	[simem:s7], [sflag:s8] =	dma.local @!p0 [hbm:s6], $0xF7A  }
0x23: {  	s9 =	sor.u32 $0xD0000000, s2;
	s6 =	simm.s32 $0x108;
	_ =	swait.ge @!p0 [sflag:s8], $0x0  }
0x24: {  	s3 =	sadd.s32 $0x88, s3;
	s6 =	simm.s32 @!p1 $0x1082;
	[sflag:s4] =	ssyncset.s32 $0xFFFFF086  }
0x25: {  	[simem:s6], [sflag:s4] =	dma.local [hbm:s3], $0xF7A  }
0x26: {  	[smem:$0x3F9C] =	sst s1;
	(tag) =	ssettag s2;
	_ =	strace s9  }
0x27: {  	s1 =	sld [smem:$0x3FAC]  }
0x28: {  	s2 =	sld [smem:$0x3FAD]  }
0x29: {  	s4 =	sld [smem:$0x3FAF]  }
0x2a: {  	p0 =	seq.s32 s5, $0x0;
	s5 =	sld [smem:$0x3FB0]  }
0x2b: {  	s6 =	sld [smem:$0x3FB1]  }
0x2c: {  	s7 =	sld [smem:$0x3FB2]  }
0x2d: {  	s3 =	simm.s32 $0x108;
	s8 =	sld [smem:$0x3FB3]  }
0x2e: {  	s3 =	simm.s32 @!p0 $0x1082;
	s9 =	sld [smem:$0x3FB4]  }
0x2f: {  	lr =	sadd.s32 s0, s3;
	s0 =	sld [smem:$0x3FAB]  }
0x30: {  	s3 =	sld [smem:$0x3FAE]  }
0x31: {  	[smem:$0x3FB7] =	sst s10  }
0x32: {  	s10 =	sld [smem:$0x3FB5];
	_ =	sdelay $0x3  }
0x33: {  	p0 =	seq.s32 s10, $0x1;
	s10 =	sld [smem:$0x3FB7];
	_ =	sdelay $0x3  }
0x34: {  	[smem:$0x3FB7] =	sst s10  }
0x35: {  	s10 =	sld [smem:$0x3FB6];
	_ =	sdelay $0x3  }
0x36: {  	p1 =	seq.s32 s10, $0x1;
	s10 =	sld [smem:$0x3FB7];
	_ =	sdelay $0x3  }
0x37: {  	[smem:$0x3FB7] =	sst s10  }
0x38: {  	s10 =	sld [smem:$0x3FB8]  }
0x39: {  	_ = 	snop;
	(pc) =	sbr.ind lr, $3  }
0x3a: {  	_ = 	snop  }
0x3b: {  	_ = 	snop  }
0x3c: {  	p2 =	seq.s32 s10, $0x1;
	s10 =	sld [smem:$0x3FB7]  }
0x3d: {  	_ =	shalt  }
0x3e: {  	_ =	shalt  }
0x3f: {  	_ =	shalt  }
0x40: {  	_ =	shalt  }
0x41: {  	_ =	shalt  }
0x42: {  	_ =	shalt  }
0x43: {  	_ =	shalt  }
0x44: {  	_ =	shalt  }
0x45: {  	_ =	shalt  }
0x46: {  	_ =	shalt  }
0x47: {  	_ =	shalt  }
0x48: {  	_ =	shalt  }
0x49: {  	_ =	shalt  }
0x4a: {  	_ =	shalt  }
0x4b: {  	_ =	shalt  }
0x4c: {  	_ =	shalt  }
0x4d: {  	_ =	shalt  }
0x4e: {  	_ =	shalt  }
0x4f: {  	_ =	shalt  }
0x50: {  	_ =	shalt  }
0x51: {  	_ =	shalt  }
0x52: {  	_ =	shalt  }
0x53: {  	_ =	shalt  }
0x54: {  	_ =	shalt  }
0x55: {  	_ =	shalt  }
0x56: {  	_ =	shalt  }
0x57: {  	_ =	shalt  }
0x58: {  	_ =	shalt  }
0x59: {  	_ =	shalt  }
0x5a: {  	_ =	shalt  }
0x5b: {  	_ =	shalt  }
0x5c: {  	_ =	shalt  }
0x5d: {  	_ =	shalt  }
0x5e: {  	_ =	shalt  }
0x5f: {  	_ =	shalt  }
0x60: {  	_ =	shalt  }
0x61: {  	_ =	shalt  }
0x62: {  	_ =	shalt  }
0x63: {  	_ =	shalt  }
0x64: {  	_ =	shalt  }
0x65: {  	_ =	shalt  }
0x66: {  	_ =	shalt  }
0x67: {  	_ =	shalt  }
0x68: {  	_ =	shalt  }
0x69: {  	_ =	shalt  }
0x6a: {  	_ =	shalt  }
0x6b: {  	_ =	shalt  }
0x6c: {  	_ =	shalt  }
0x6d: {  	_ =	shalt  }
0x6e: {  	_ =	shalt  }
0x6f: {  	_ =	shalt  }
0x70: {  	_ =	shalt  }
0x71: {  	_ =	shalt  }
0x72: {  	_ =	shalt  }
0x73: {  	_ =	shalt  }
0x74: {  	_ =	shalt  }
0x75: {  	_ =	shalt  }
0x76: {  	_ =	shalt  }
0x77: {  	_ =	shalt  }
0x78: {  	_ =	shalt  }
0x79: {  	_ =	shalt  }
0x7a: {  	_ =	shalt  }
0x7b: {  	_ =	shalt  }
0x7c: {  	_ =	shalt  }
0x7d: {  	_ =	shalt  }
0x7e: {  	_ =	shalt  }
0x7f: {  	_ =	shalt  }
0x80: {  	_ =	shalt  }
0x81: {  	_ =	shalt  }
0x82: {  	_ =	shalt  }
0x83: {  	_ =	shalt  }
0x84: {  	_ =	shalt  }
0x85: {  	_ =	shalt  }
0x86: {  	_ =	shalt  }
0x87: {  	_ =	shalt  }
.Lfunc_end0:
.L_simem_size_0:
called_computation_lowered:
.L_overlay_start_0:
0x88: {  	s2 =	sld [smem:$0x3FD9]  }
0x89: {  	s3 =	sld [smem:$0x3FFE];
	_ =	sdelay $0x1  }
0x8a: {  	s1 =	srdreg.scid  }
0x8b: {  	s0 =	sand.u32 $0x1, s1  }
0x8c: {  	s17 =	sshll.u32 s0, $0xA;
	s2 =	sadd.s32 s3, s2  }
0x8d: {  	s2 =	sadd.s32 s2, s17  }
0x8e: {  	[smem:$0x3FC3] =	sst s2  }
0x8f: {  	_ = 	snop  }
0x90: {  	s2 =	sld [smem:$0x3FC9];
	(tm) =	ssettm $0x1  }
0x91: {  	s18 =	sld [smem:$0x3FFB];
	_ =	sdelay $0x3  }
0x92: {  	_ =	strace s18  }
0x93: {  	s3 =	sld [smem:$0x3FFC];
	_ =	sdelay $0x3  }
0x94: {  	_ =	strace s3  }
0x95: {  	s3 =	sld [smem:$0x3FFD];
	_ =	sdelay $0x3  }
0x96: {  	_ =	strace s3  }
0x97: {  	_ =	strace $0x8FFFFFFF  }
0x98: {  	s19 =	sld [smem:$0x3FDB];
	_ =	sdelay $0x1  }
0x99: {  	s4 =	simm.s32 $_scs_section_size  }
0x9a: {  	s5 =	simm.s32 $_size__tile_overlayer_lowered;
	s6 =	simm.s32 $_tile_overlayer_lowered  }
0x9b: {  	s22 =	simm.s32 $0x1BFF;
	s21 =	sshll.u32 s6, $0x1;
	s3 =	sadd.s32 s4, s19  }
0x9c: {  	s7 =	simm.s32 $0x0;
	s20 =	sshll.u32 s5, $0x1;
	s5 =	sadd.s32 s21, s3  }
0x9d: {  	[timem:s7], [sflag:s22] =	dma.local [hbm:s5], s20  }
0x9e: {  	_ =	swait.ge [sflag:s22], s20  }
0x9f: {  	s4 =	ssub.s32 $0x0, s20;
	[sflag:s22] =	ssyncset.done $0x0  }
0xa0: {  	[sflag:s22] =	ssyncadd.s32 s4;
	_ =	sdelay $0x1  }
0xa1: {  	s23 =	simm.s32 $0x1B8B  }
0xa2: {  	_ =	swait.ge [sflag:s23], $0x1  }
0xa3: {  	[sflag:s23] =	ssyncset.done $0x0  }
0xa4: {  	s25 =	simm.s32 $0x1B8E;
	s24 =	sld [smem:$0x3FFE];
	[sflag:s23] =	ssyncadd.s32 $0xFFFFFFFF  }
0xa5: {  	s26 =	simm.s32 $execute0_lowered;
	[smem:$0x3FD2] =	sst s25  }
0xa6: {  	s5 =	sshll.u32 s26, $0x1;
	_ =	strace $0x80000046;
	[dreg:$0x1] =	wrdreg $0xFFFFFFFF  }
0xa7: {  	s28 =	simm.s32 $_size_execute0_lowered;
	s3 =	sadd.s32 s3, s5;
	[dreg:$0x0] =	wrdreg $0x0  }
0xa8: {  	s5 =	sshll.u32 s28, $0x1;
	[dreg:$0x2] =	wrdreg s3  }
0xa9: {  	[dreg:$0x3] =	wrdreg s5  }
0xaa: {  	[dreg:$0x4] =	wrdreg $0xC0  }
0xab: {  	_ =	task [dreg:s7], $0x5FFFF  }
0xac: {  	[dreg:$0x1] =	wrdreg $0xFFFFFFFF  }
0xad: {  	[dreg:$0x0] =	wrdreg $0x60  }
0xae: {  	[dreg:$0x2] =	wrdreg s2  }
0xaf: {  	[dreg:$0x3] =	wrdreg s24  }
0xb0: {  	[dreg:$0x4] =	wrdreg $0x9  }
0xb1: {  	_ =	task.clear_ibuf [dreg:s7], $0x5FFFF;
	_ =	strace $0x90000046  }
0xb2: {  	s29 =	simm.s32 $0x9;
	_ =	strace $0x80000048  }
0xb3: {  	_ =	swait.ge [sflag:s29], $0x1  }
0xb4: {  	[sflag:s29] =	ssyncadd.s32 $0xFFFFFFFF  }
0xb5: {  	_ =	strace $0x90000048  }
0xb6: {  	_ =	sfence  }
0xb7: {  	s30 =	sld [smem:$0x0];
	_ =	sdelay $0x2  }
0xb8: {  	s31 =	sshll.u32 s1, $0xD;
	s1 =	sshrl.u32 s1, $0x2  }
0xb9: {  	s3 =	sand.u32 $0x4000, s31;
	s1 =	sadd.s32 s1, s30  }
0xba: {  	s0 =	sor.u32 s3, s0;
	s1 =	sshll.u32 s1, $0x11  }
0xbb: {  	s0 =	sor.u32 s1, s0  }
0xbc: {  	s0 =	sadd.s32 $0x8F2B, s0  }
0xbd: {  	[sflag:s0] =	ssyncadd.remote.s32 $0x1  }
0xbe: {  	_ =	sfence.sel $0xFFFF  }
0xbf: {  	[dreg:$0x0] =	wrdreg $0xFFFFFFFF;
	(pc) =	sbr.abs _section_cstart, $3  }
0xc0: {  	[dreg:$0x1] =	wrdreg $0xFFFFFFFF  }
0xc1: {  	_ =	task.clear_ibuf [dreg:s7], $0x2FFFF;
	_ =	strace $0x9FFFFFFF  }
0xc2: {  	(tm) =	ssettm $0x7FFFFFFF  }
0xc3: {  	_ =	shalt  }
tec
execute0_lowered:
.L_overlay_start_1:
0x0: {  	(tag) =	ssettag $0x1  }
0x1: {  	s0 =	srdreg.scid;
	s2 =	stileid.u32  }
0x2: {  	s4 =	rddreg [dreg:$0x1];
	s3 =	simm.s32 $0x0;
	s0 =	sand.u32 $0x1, s0  }
0x3: {  	s2 =	sshll.u32 s2, $0x9;
	[smem:$0x7FF] =	sst s3;
	s1 =	sshll.u32 s0, $0xD  }
0x4: {  	s17 =	simm.s32 $0xA00;
	s1 =	sor.u32 s2, s1;
	s2 =	rddreg [dreg:$0x0]  }
0x5: {  	s18 =	simm.s32 $0x1200;
	_ =	strace $0x80000047;
	[dreg:$0x4] =	wrdreg s17  }
0x6: {  	s19 =	simm.s32 $0x1A00;
	[dreg:$0x5] =	wrdreg s18  }
0x7: {  	s20 =	simm.s32 $0x2200;
	[dreg:$0x6] =	wrdreg s19  }
0x8: {  	s21 =	simm.s32 $0x2A00;
	[dreg:$0x7] =	wrdreg s20  }
0x9: {  	s22 =	simm.s32 $0x3200;
	[dreg:$0x8] =	wrdreg s21  }
0xa: {  	s23 =	simm.s32 $0x3A00;
	[dreg:$0x9] =	wrdreg s22  }
0xb: {  	s24 =	simm.s32 $0x4200;
	[dreg:$0xa] =	wrdreg s23  }
0xc: {  	s25 =	simm.s32 $0x4A00;
	[dreg:$0xb] =	wrdreg s24  }
0xd: {  	s26 =	simm.s32 $0x5200;
	[dreg:$0xc] =	wrdreg s25  }
0xe: {  	s6 =	simm.s32 $0x5A00;
	[dreg:$0xd] =	wrdreg s26  }
0xf: {  	s7 =	simm.s32 $0x6200;
	[dreg:$0xe] =	wrdreg s6  }
0x10: {  	s8 =	simm.s32 $0x6A00;
	[dreg:$0xf] =	wrdreg s7  }
0x11: {  	s9 =	simm.s32 $0x7200;
	[dreg:$0x10] =	wrdreg s8  }
0x12: {  	s10 =	simm.s32 $0x7A00;
	[dreg:$0x11] =	wrdreg s9  }
0x13: {  	s11 =	simm.s32 $0x8200;
	[dreg:$0x12] =	wrdreg s10  }
0x14: {  	s12 =	simm.s32 $0x8A00;
	s13 =	simm.s32 $0x9200;
	[dreg:$0x13] =	wrdreg s11  }
0x15: {  	s14 =	simm.s32 $0x9A00;
	s15 =	simm.s32 $0xA200;
	[dreg:$0x14] =	wrdreg s12  }
0x16: {  	s16 =	simm.s32 $0xAA00;
	s28 =	simm.s32 $0x17A00;
	[dreg:$0x15] =	wrdreg s13  }
0x17: {  	s29 =	simm.s32 $0x2;
	s30 =	simm.s32 $0x3;
	[dreg:$0x16] =	wrdreg s14  }
0x18: {  	s31 =	simm.s32 $0x0;
	s0 =	ssub.s32 $0x2, s0;
	[dreg:$0x17] =	wrdreg s15  }
0x19: {  	s17 =	sshrl.u32 s0, $0x1;
	[dreg:$0x18] =	wrdreg s16;
	s18 =	simm.s32 $0xB200  }
0x1a: {  	s19 =	simm.s32 $0xBA00;
	s20 =	simm.s32 $0xCA00;
	s21 =	simm.s32 $0xD200  }
0x1b: {  	s22 =	simm.s32 $0xDA00;
	s23 =	simm.s32 $0xE200;
	[dreg:$0x19] =	wrdreg s18  }
0x1c: {  	s24 =	simm.s32 $0xEA00;
	s9 =	simm.s32 $0x200;
	[dreg:$0x1a] =	wrdreg s19  }
0x1d: {  	s25 =	simm.s32 $0xF200;
	s10 =	simm.s32 $0x4;
	[dreg:$0x1b] =	wrdreg s20  }
0x1e: {  	s26 =	simm.s32 $0xFA00;
	s11 =	simm.s32 $0xC200;
	[dreg:$0x1c] =	wrdreg s21  }
0x1f: {  	s12 =	simm.s32 $0x10200;
	s13 =	simm.s32 $0x10A00;
	[dreg:$0x1d] =	wrdreg s22  }
0x20: {  	s14 =	simm.s32 $0x11200;
	s15 =	simm.s32 $0x11A00;
	[dreg:$0x1e] =	wrdreg s23  }
0x21: {  	s16 =	simm.s32 $0x12200;
	s1 =	sshrl.u32 s1, $0x3;
	[dreg:$0x1f] =	wrdreg s24  }
0x22: {  	s0 =	ssub.s32 s0, s17;
	s6 =	sadd.s32 $0x200, s2;
	[smem:$0x7FC] =	sst s25  }
0x23: {  	[smem:$0x7FD] =	sst s26;
	s17 =	simm.s32 $0x12A00;
	s18 =	simm.s32 $0x13200  }
0x24: {  	s19 =	simm.s32 $0x13A00;
	s20 =	simm.s32 $0x14200;
	s21 =	simm.s32 $0x14A00  }
0x25: {  	s22 =	simm.s32 $0x15200;
	s23 =	simm.s32 $0x15A00;
	s5 =	smul.u32 $0x300, s1  }
0x26: {  	s24 =	simm.s32 $0x16200;
	s1 =	sadd.s32 s1, s4;
	s0 =	smax.u32 s0, $0x1  }
0x27: {  	v2 =	vlaneseq.u32;
	s1 =	sadd.s32 $0xE00, s1;
	[smem:$0x7FB] =	sst s0;
	s5 =	sadd.s32 s5, s4  }
0x28: {  	vm0 =	vmmov $0xffff;
	v1 =	vshrl.u32 v2, $0x3;
	s25 =	simm.s32 $0x16A00;
	[smem:$0x7FA] =	sst s1;
	s5 =	sadd.s32 $0x1E00, s5  }
0x29: {  	v0 =	vand.u32 $0x7, v2;
	v2 =	vor.u32 $0x8, v2;
	v1 =	vmul.u32 $0x8, v1;
	s26 =	simm.s32 $0x17200;
	[dreg:$0x3] =	wrdreg s5;
	s5 =	sadd.s32 $0x100, s2  }
.LBB2_1:
0x2a: {  	s0 =	sld [smem:$0x7FA];
	_ =	sdelay $0x1  }
0x2b: {  	s8 =	simm.s32 $0x1  }
0x2c: {  	[tilespmem:s3], [sflag:$0x1] =	stream.linear.gather [hbm4b:s0+s3], $0x200, $0x38;
	[tilespmem:$0x18200] =	vst v63  }
0x2d: {  	_ =	swait.ge [sflag:s8], $0x200  }
0x2e: {  	[sflag:s8] =	ssyncset.done $0x0  }
0x2f: {  	s1 =	simm.s32 $0x40;
	s0 =	simm.s32 $0x0;
	[sflag:s8] =	ssyncadd.s32 $0xFFFFFE00  }
.LBB2_2:
0x30: {  	v3 =	vld [tilespmem:s1+$0xFFFFFFC0];
	_ =	sdelay $0x4  }
0x31: {  	v4 =	vshrl.u32 v3, $0x3  }
0x32: {  	v4 =	vmul.u32 $0x30, v4  }
0x33: {  	v3 =	vand.u32 $0x7, v3  }
0x34: {  	v3 =	vor.u32 v3, v4  }
0x35: {  	v4 =	vperm.xlane v3, v0;
	_ =	sdelay $0x1  }
0x36: {  	v4 =	vadd.s32 v1, v4;
	_ =	sdelay $0x3  }
0x37: {  	v3 =	vperm.xlane v3, v2  }
0x38: {  	[tilespmem:s9], [sflag:$0x4] =	stream.indirect_vreg.gather [hbm4b:s2+s3], $0x80, v4, vm0, $0xb8;
	[tilespmem:$0x18200] =	vst v63  }
0x39: {  	s4 =	rddreg [dreg:$0x4];
	v3 =	vadd.s32 v1, v3  }
0x3a: {  	[tilespmem:s4], [sflag:$0x4] =	stream.indirect_vreg.gather [hbm4b:s5+s3], $0x80, v4, vm0, $0xb8;
	[tilespmem:$0x18200] =	vst v63  }
0x3b: {  	s7 =	rddreg [dreg:$0x5]  }
0x3c: {  	[tilespmem:s7], [sflag:$0x4] =	stream.indirect_vreg.gather [hbm4b:s6+s3], $0x80, v4, vm0, $0xb8;
	[tilespmem:$0x18200] =	vst v63  }
0x3d: {  	s8 =	rddreg [dreg:$0x6]  }
0x3e: {  	[tilespmem:s8], [sflag:$0x4] =	stream.indirect_vreg.gather [hbm4b:s2+s3], $0x80, v3, vm0, $0xb8;
	[tilespmem:$0x18200] =	vst v63  }
0x3f: {  	s7 =	rddreg [dreg:$0x7]  }
0x40: {  	[tilespmem:s7], [sflag:$0x4] =	stream.indirect_vreg.gather [hbm4b:s5+s3], $0x80, v3, vm0, $0xb8;
	[tilespmem:$0x18200] =	vst v63  }
0x41: {  	s8 =	rddreg [dreg:$0x8]  }
0x42: {  	[tilespmem:s8], [sflag:$0x4] =	stream.indirect_vreg.gather [hbm4b:s6+s3], $0x80, v3, vm0, $0xb8;
	[tilespmem:$0x18200] =	vst v63  }
0x43: {  	v3 =	vld [tilespmem:s1+$0xFFFFFFD0];
	_ =	sdelay $0x4  }
0x44: {  	v57 =	vshrl.u32 v3, $0x3  }
0x45: {  	v4 =	vmul.u32 $0x30, v57  }
0x46: {  	v3 =	vand.u32 $0x7, v3  }
0x47: {  	v3 =	vor.u32 v3, v4  }
0x48: {  	v4 =	vperm.xlane v3, v0;
	_ =	sdelay $0x1  }
0x49: {  	v4 =	vadd.s32 v1, v4;
	_ =	sdelay $0x3  }
0x4a: {  	s7 =	rddreg [dreg:$0x9];
	v3 =	vperm.xlane v3, v2  }
0x4b: {  	[tilespmem:s7], [sflag:$0x4] =	stream.indirect_vreg.gather [hbm4b:s2+s3], $0x80, v4, vm0, $0xb8;
	[tilespmem:$0x18200] =	vst v63  }
0x4c: {  	s8 =	rddreg [dreg:$0xa];
	v3 =	vadd.s32 v1, v3  }
0x4d: {  	[tilespmem:s8], [sflag:$0x4] =	stream.indirect_vreg.gather [hbm4b:s5+s3], $0x80, v4, vm0, $0xb8;
	[tilespmem:$0x18200] =	vst v63  }
0x4e: {  	s4 =	rddreg [dreg:$0xb]  }
0x4f: {  	[tilespmem:s4], [sflag:$0x4] =	stream.indirect_vreg.gather [hbm4b:s6+s3], $0x80, v4, vm0, $0xb8;
	[tilespmem:$0x18200] =	vst v63  }
0x50: {  	s8 =	rddreg [dreg:$0xc]  }
0x51: {  	[tilespmem:s8], [sflag:$0x4] =	stream.indirect_vreg.gather [hbm4b:s2+s3], $0x80, v3, vm0, $0xb8;
	[tilespmem:$0x18200] =	vst v63  }
0x52: {  	s4 =	rddreg [dreg:$0xd]  }
0x53: {  	[tilespmem:s4], [sflag:$0x4] =	stream.indirect_vreg.gather [hbm4b:s5+s3], $0x80, v3, vm0, $0xb8;
	[tilespmem:$0x18200] =	vst v63  }
0x54: {  	s8 =	rddreg [dreg:$0xe]  }
0x55: {  	[tilespmem:s8], [sflag:$0x4] =	stream.indirect_vreg.gather [hbm4b:s6+s3], $0x80, v3, vm0, $0xb8;
	[tilespmem:$0x18200] =	vst v63  }
0x56: {  	v3 =	vld [tilespmem:s1+$0xFFFFFFE0];
	_ =	sdelay $0x4  }
0x57: {  	v58 =	vshrl.u32 v3, $0x3  }
0x58: {  	v4 =	vmul.u32 $0x30, v58  }
0x59: {  	v3 =	vand.u32 $0x7, v3  }
0x5a: {  	v3 =	vor.u32 v3, v4  }
0x5b: {  	v4 =	vperm.xlane v3, v0;
	_ =	sdelay $0x1  }
0x5c: {  	v4 =	vadd.s32 v1, v4;
	_ =	sdelay $0x3  }
0x5d: {  	s7 =	rddreg [dreg:$0xf];
	v3 =	vperm.xlane v3, v2  }
0x5e: {  	[tilespmem:s7], [sflag:$0x4] =	stream.indirect_vreg.gather [hbm4b:s2+s3], $0x80, v4, vm0, $0xb8;
	[tilespmem:$0x18200] =	vst v63  }
0x5f: {  	s8 =	rddreg [dreg:$0x10];
	v3 =	vadd.s32 v1, v3  }
0x60: {  	[tilespmem:s8], [sflag:$0x4] =	stream.indirect_vreg.gather [hbm4b:s5+s3], $0x80, v4, vm0, $0xb8;
	[tilespmem:$0x18200] =	vst v63  }
0x61: {  	s4 =	rddreg [dreg:$0x11]  }
0x62: {  	[tilespmem:s4], [sflag:$0x4] =	stream.indirect_vreg.gather [hbm4b:s6+s3], $0x80, v4, vm0, $0xb8;
	[tilespmem:$0x18200] =	vst v63  }
0x63: {  	s8 =	rddreg [dreg:$0x12]  }
0x64: {  	[tilespmem:s8], [sflag:$0x4] =	stream.indirect_vreg.gather [hbm4b:s2+s3], $0x80, v3, vm0, $0xb8;
	[tilespmem:$0x18200] =	vst v63  }
0x65: {  	s4 =	rddreg [dreg:$0x13]  }
0x66: {  	[tilespmem:s4], [sflag:$0x4] =	stream.indirect_vreg.gather [hbm4b:s5+s3], $0x80, v3, vm0, $0xb8;
	[tilespmem:$0x18200] =	vst v63  }
0x67: {  	s8 =	rddreg [dreg:$0x14]  }
0x68: {  	[tilespmem:s8], [sflag:$0x4] =	stream.indirect_vreg.gather [hbm4b:s6+s3], $0x80, v3, vm0, $0xb8;
	[tilespmem:$0x18200] =	vst v63  }
0x69: {  	v3 =	vld [tilespmem:s1+$0xFFFFFFF0];
	_ =	sdelay $0x4  }
0x6a: {  	v59 =	vshrl.u32 v3, $0x3  }
0x6b: {  	v4 =	vmul.u32 $0x30, v59  }
0x6c: {  	v3 =	vand.u32 $0x7, v3  }
0x6d: {  	v3 =	vor.u32 v3, v4  }
0x6e: {  	v4 =	vperm.xlane v3, v0;
	_ =	sdelay $0x1  }
0x6f: {  	v4 =	vadd.s32 v1, v4;
	_ =	sdelay $0x3  }
0x70: {  	s7 =	rddreg [dreg:$0x15];
	v3 =	vperm.xlane v3, v2  }
0x71: {  	[tilespmem:s7], [sflag:$0x4] =	stream.indirect_vreg.gather [hbm4b:s2+s3], $0x80, v4, vm0, $0xb8;
	[tilespmem:$0x18200] =	vst v63  }
0x72: {  	s8 =	rddreg [dreg:$0x16];
	v3 =	vadd.s32 v1, v3  }
0x73: {  	[tilespmem:s8], [sflag:$0x4] =	stream.indirect_vreg.gather [hbm4b:s5+s3], $0x80, v4, vm0, $0xb8;
	[tilespmem:$0x18200] =	vst v63  }
0x74: {  	s4 =	rddreg [dreg:$0x17]  }
0x75: {  	[tilespmem:s4], [sflag:$0x4] =	stream.indirect_vreg.gather [hbm4b:s6+s3], $0x80, v4, vm0, $0xb8;
	[tilespmem:$0x18200] =	vst v63  }
0x76: {  	s8 =	rddreg [dreg:$0x18]  }
0x77: {  	[tilespmem:s8], [sflag:$0x4] =	stream.indirect_vreg.gather [hbm4b:s2+s3], $0x80, v3, vm0, $0xb8;
	[tilespmem:$0x18200] =	vst v63  }
0x78: {  	s4 =	rddreg [dreg:$0x19]  }
0x79: {  	[tilespmem:s4], [sflag:$0x4] =	stream.indirect_vreg.gather [hbm4b:s5+s3], $0x80, v3, vm0, $0xb8;
	[tilespmem:$0x18200] =	vst v63  }
0x7a: {  	s8 =	rddreg [dreg:$0x1a]  }
0x7b: {  	[tilespmem:s8], [sflag:$0x4] =	stream.indirect_vreg.gather [hbm4b:s6+s3], $0x80, v3, vm0, $0xb8;
	[tilespmem:$0x18200] =	vst v63  }
0x7c: {  	_ =	swait.ge [sflag:s10], $0xC000  }
0x7d: {  	s8 =	rddreg [dreg:$0x3];
	[sflag:s10] =	ssyncset.done $0x0  }
0x7e: {  	[sflag:s10] =	ssyncadd.s32 $0xFFFF4000;
	s4 =	sadd.s32 s0, s8  }
0x7f: {  	[hbm4b:s4+s3] =	stream.linear.scatter [tilespmem:s9], [sflag:$0x2], $0xC000, $0x38;
	[tilespmem:$0x18200] =	vst v63  }
0x80: {  	v3 =	vld [tilespmem:s1+$0x0];
	_ =	sdelay $0x4  }
0x81: {  	v60 =	vshrl.u32 v3, $0x3  }
0x82: {  	v4 =	vmul.u32 $0x30, v60  }
0x83: {  	v3 =	vand.u32 $0x7, v3  }
0x84: {  	v3 =	vor.u32 v3, v4  }
0x85: {  	v4 =	vperm.xlane v3, v0;
	_ =	sdelay $0x1  }
0x86: {  	v4 =	vadd.s32 v1, v4;
	_ =	sdelay $0x3  }
0x87: {  	v3 =	vperm.xlane v3, v2  }
0x88: {  	[tilespmem:s11], [sflag:$0x4] =	stream.indirect_vreg.gather [hbm4b:s2+s3], $0x80, v4, vm0, $0xb8;
	[tilespmem:$0x18200] =	vst v63  }
0x89: {  	s7 =	rddreg [dreg:$0x1b];
	v3 =	vadd.s32 v1, v3  }
0x8a: {  	[tilespmem:s7], [sflag:$0x4] =	stream.indirect_vreg.gather [hbm4b:s5+s3], $0x80, v4, vm0, $0xb8;
	[tilespmem:$0x18200] =	vst v63  }
0x8b: {  	s8 =	rddreg [dreg:$0x1c]  }
0x8c: {  	[tilespmem:s8], [sflag:$0x4] =	stream.indirect_vreg.gather [hbm4b:s6+s3], $0x80, v4, vm0, $0xb8;
	[tilespmem:$0x18200] =	vst v63  }
0x8d: {  	s7 =	rddreg [dreg:$0x1d]  }
0x8e: {  	[tilespmem:s7], [sflag:$0x4] =	stream.indirect_vreg.gather [hbm4b:s2+s3], $0x80, v3, vm0, $0xb8;
	[tilespmem:$0x18200] =	vst v63  }
0x8f: {  	s8 =	rddreg [dreg:$0x1e]  }
0x90: {  	[tilespmem:s8], [sflag:$0x4] =	stream.indirect_vreg.gather [hbm4b:s5+s3], $0x80, v3, vm0, $0xb8;
	[tilespmem:$0x18200] =	vst v63  }
0x91: {  	s7 =	rddreg [dreg:$0x1f]  }
0x92: {  	[tilespmem:s7], [sflag:$0x4] =	stream.indirect_vreg.gather [hbm4b:s6+s3], $0x80, v3, vm0, $0xb8;
	[tilespmem:$0x18200] =	vst v63  }
0x93: {  	v3 =	vld [tilespmem:s1+$0x10];
	_ =	sdelay $0x4  }
0x94: {  	v61 =	vshrl.u32 v3, $0x3  }
0x95: {  	v4 =	vmul.u32 $0x30, v61  }
0x96: {  	v3 =	vand.u32 $0x7, v3  }
0x97: {  	v3 =	vor.u32 v3, v4  }
0x98: {  	v4 =	vperm.xlane v3, v0;
	_ =	sdelay $0x1  }
0x99: {  	v4 =	vadd.s32 v1, v4;
	_ =	sdelay $0x1  }
0x9a: {  	s7 =	sld [smem:$0x7FC];
	_ =	sdelay $0x1  }
0x9b: {  	s8 =	sld [smem:$0x7FD];
	v3 =	vperm.xlane v3, v2  }
0x9c: {  	[tilespmem:s7], [sflag:$0x4] =	stream.indirect_vreg.gather [hbm4b:s2+s3], $0x80, v4, vm0, $0xb8;
	[tilespmem:$0x18200] =	vst v63  }
0x9d: {  	v3 =	vadd.s32 v1, v3  }
0x9e: {  	[tilespmem:s8], [sflag:$0x4] =	stream.indirect_vreg.gather [hbm4b:s5+s3], $0x80, v4, vm0, $0xb8;
	[tilespmem:$0x18200] =	vst v63  }
0x9f: {  	_ = 	snop  }
0xa0: {  	[tilespmem:s12], [sflag:$0x4] =	stream.indirect_vreg.gather [hbm4b:s6+s3], $0x80, v4, vm0, $0xb8;
	[tilespmem:$0x18200] =	vst v63  }
0xa1: {  	_ = 	snop  }
0xa2: {  	[tilespmem:s13], [sflag:$0x4] =	stream.indirect_vreg.gather [hbm4b:s2+s3], $0x80, v3, vm0, $0xb8;
	[tilespmem:$0x18200] =	vst v63  }
0xa3: {  	_ = 	snop  }
0xa4: {  	[tilespmem:s14], [sflag:$0x4] =	stream.indirect_vreg.gather [hbm4b:s5+s3], $0x80, v3, vm0, $0xb8;
	[tilespmem:$0x18200] =	vst v63  }
0xa5: {  	_ = 	snop  }
0xa6: {  	[tilespmem:s15], [sflag:$0x4] =	stream.indirect_vreg.gather [hbm4b:s6+s3], $0x80, v3, vm0, $0xb8;
	[tilespmem:$0x18200] =	vst v63  }
0xa7: {  	v3 =	vld [tilespmem:s1+$0x20];
	_ =	sdelay $0x4  }
0xa8: {  	v62 =	vshrl.u32 v3, $0x3  }
0xa9: {  	v4 =	vmul.u32 $0x30, v62  }
0xaa: {  	v3 =	vand.u32 $0x7, v3  }
0xab: {  	v3 =	vor.u32 v3, v4  }
0xac: {  	v4 =	vperm.xlane v3, v0;
	_ =	sdelay $0x1  }
0xad: {  	v4 =	vadd.s32 v1, v4;
	_ =	sdelay $0x3  }
0xae: {  	v3 =	vperm.xlane v3, v2  }
0xaf: {  	[tilespmem:s16], [sflag:$0x4] =	stream.indirect_vreg.gather [hbm4b:s2+s3], $0x80, v4, vm0, $0xb8;
	[tilespmem:$0x18200] =	vst v63  }
0xb0: {  	v3 =	vadd.s32 v1, v3  }
0xb1: {  	[tilespmem:s17], [sflag:$0x4] =	stream.indirect_vreg.gather [hbm4b:s5+s3], $0x80, v4, vm0, $0xb8;
	[tilespmem:$0x18200] =	vst v63  }
0xb2: {  	_ = 	snop  }
0xb3: {  	[tilespmem:s18], [sflag:$0x4] =	stream.indirect_vreg.gather [hbm4b:s6+s3], $0x80, v4, vm0, $0xb8;
	[tilespmem:$0x18200] =	vst v63  }
0xb4: {  	_ = 	snop  }
0xb5: {  	[tilespmem:s19], [sflag:$0x4] =	stream.indirect_vreg.gather [hbm4b:s2+s3], $0x80, v3, vm0, $0xb8;
	[tilespmem:$0x18200] =	vst v63  }
0xb6: {  	_ = 	snop  }
0xb7: {  	[tilespmem:s20], [sflag:$0x4] =	stream.indirect_vreg.gather [hbm4b:s5+s3], $0x80, v3, vm0, $0xb8;
	[tilespmem:$0x18200] =	vst v63  }
0xb8: {  	_ = 	snop  }
0xb9: {  	[tilespmem:s21], [sflag:$0x4] =	stream.indirect_vreg.gather [hbm4b:s6+s3], $0x80, v3, vm0, $0xb8;
	[tilespmem:$0x18200] =	vst v63  }
0xba: {  	v3 =	vld [tilespmem:s1+$0x30];
	_ =	sdelay $0x4  }
0xbb: {  	v63 =	vshrl.u32 v3, $0x3  }
0xbc: {  	v4 =	vmul.u32 $0x30, v63  }
0xbd: {  	v3 =	vand.u32 $0x7, v3  }
0xbe: {  	v3 =	vor.u32 v3, v4  }
0xbf: {  	v4 =	vperm.xlane v3, v0;
	_ =	sdelay $0x1  }
0xc0: {  	v4 =	vadd.s32 v1, v4;
	_ =	sdelay $0x3  }
0xc1: {  	v3 =	vperm.xlane v3, v2  }
0xc2: {  	[tilespmem:s22], [sflag:$0x4] =	stream.indirect_vreg.gather [hbm4b:s2+s3], $0x80, v4, vm0, $0xb8;
	[tilespmem:$0x18200] =	vst v63  }
0xc3: {  	v3 =	vadd.s32 v1, v3  }
0xc4: {  	[tilespmem:s23], [sflag:$0x4] =	stream.indirect_vreg.gather [hbm4b:s5+s3], $0x80, v4, vm0, $0xb8;
	[tilespmem:$0x18200] =	vst v63  }
0xc5: {  	_ = 	snop  }
0xc6: {  	[tilespmem:s24], [sflag:$0x4] =	stream.indirect_vreg.gather [hbm4b:s6+s3], $0x80, v4, vm0, $0xb8;
	[tilespmem:$0x18200] =	vst v63  }
0xc7: {  	_ = 	snop  }
0xc8: {  	[tilespmem:s25], [sflag:$0x4] =	stream.indirect_vreg.gather [hbm4b:s2+s3], $0x80, v3, vm0, $0xb8;
	[tilespmem:$0x18200] =	vst v63  }
0xc9: {  	_ = 	snop  }
0xca: {  	[tilespmem:s26], [sflag:$0x4] =	stream.indirect_vreg.gather [hbm4b:s5+s3], $0x80, v3, vm0, $0xb8;
	[tilespmem:$0x18200] =	vst v63  }
0xcb: {  	_ = 	snop  }
0xcc: {  	[tilespmem:s28], [sflag:$0x4] =	stream.indirect_vreg.gather [hbm4b:s6+s3], $0x80, v3, vm0, $0xb8;
	[tilespmem:$0x18200] =	vst v63  }
0xcd: {  	_ =	swait.ge [sflag:s10], $0xC000  }
0xce: {  	[sflag:s10] =	ssyncset.done $0x0  }
0xcf: {  	s4 =	sadd.s32 $0x1800, s4;
	[sflag:s10] =	ssyncadd.s32 $0xFFFF4000  }
0xd0: {  	[hbm4b:s4+s3] =	stream.linear.scatter [tilespmem:s11], [sflag:$0x3], $0xC000, $0x38;
	[tilespmem:$0x18200] =	vst v63  }
0xd1: {  	p0 =	sne.s32 s0, $0x9000;
	_ =	swait.ge [sflag:s29], $0xC000  }
.Ltmp0:
0xd2: {  	[sflag:s29] =	ssyncset.done $0x0;
	(pc) =	sbr.rel @p0 .LBB2_2-.Ltmp0, $4  }
0xd3: {  	[sflag:s29] =	ssyncadd.s32 $0xFFFF4000  }
0xd4: {  	_ =	swait.ge [sflag:s30], $0xC000  }
0xd5: {  	[sflag:s30] =	ssyncset.done $0x0  }
0xd6: {  	s0 =	sadd.s32 $0x3000, s0;
	s1 =	sadd.s32 $0x80, s1;
	[sflag:s30] =	ssyncadd.s32 $0xFFFF4000  }
0xd7: {  	s0 =	sld [smem:$0x7FB];
	_ =	sdelay $0x1  }
0xd8: {  	s31 =	sadd.s32 $0x1, s31  }
0xd9: {  	p0 =	sne.s32 s31, s0  }
.Ltmp1:
0xda: {  	_ = 	snop;
	(pc) =	sbr.rel @p0 .LBB2_1-.Ltmp1, $1  }
0xdb: {  	_ =	sdelay $0x3  }
0xdc: {  	_ =	sfence.sel $0x180000  }
0xdd: {  	[bflag:$0x0] =	sbarrier.arrive $0xFFFF  }
0xde: {  	_ =	strace $0x90000047  }
0xdf: {  	s0 =	stileid.u32;
	[bflag:$0x2] =	sbarrier.arrive $0xFFFF  }
0xe0: {  	p0 =	sne.s32 s0, $0x0;
	s0 =	rddreg [dreg:$0x2]  }
0xe1: {  	s0 =	sadd.s32 @!p0 $0x100000, s0  }
0xe2: {  	[sflag:s0] =	ssyncadd.tile.s32 @!p0 $0x1;
	_ =	shalt  }
.Lfunc_end2:
_tile_overlayer_lowered:
.L_overlay_start_2:
0xe3: {  	(tag) =	ssettag $0x2  }
0xe4: {  	s0 =	rddreg [dreg:$0x0];
	s2 =	stileid.u32  }
0xe5: {  	s1 =	rddreg [dreg:$0x1];
	p0 =	sne.s32 s2, $0x0  }
0xe6: {  	s3 =	rddreg [dreg:$0x2];
	[bflag:$0x3] =	sbarrier.arrive $0xFFFF;
	s2 =	simm.s32 @!p0 $0x1C04  }
0xe7: {  	[timem:s3], [sflag:s2] =	dma.local @!p0 [hbm:s0], s1  }
0xe8: {  	s0 =	simm.s32 @!p0 $0x4  }
0xe9: {  	_ =	swait.ge @!p0 [sflag:s0], s1  }
0xea: {  	s1 =	ssub.s32 @!p0 $0x0, s1;
	[sflag:s0] =	ssyncset.done @!p0 $0x0  }
0xeb: {  	[sflag:s0] =	ssyncadd.s32 @!p0 s1  }
0xec: {  	[bflag:$0x3] =	sbarrier.arrive $0xFFFF  }
0xed: {  	_ =	shalt  }

// kernel: kernel.9.cloned.1.call-start
scs
__scs_entry_jumppad:
0x0: {  	(pc) =	sbr.rel $0x88, $3  }
0x1: {  	(tag) =	ssettag $0x0;
	lr =	simm.s32 $0x1  }
0x2: {  	[smem:$0x3F9C] =	sst lr;
	_ =	strace $0xD0000000  }
0x3: {  	_ = 	snop  }
0x4: {  	_ = 	snop  }
0x5: {  	_ = 	snop  }
0x6: {  	_ = 	snop  }
0x7: {  	_ = 	snop  }
__scs_overlays_trampoline_lowered:
0x8: {  	[smem:$0x3FAB] =	sst s0  }
0x9: {  	[smem:$0x3FAC] =	sst s1  }
0xa: {  	[smem:$0x3FAD] =	sst s2  }
0xb: {  	[smem:$0x3FAE] =	sst s3  }
0xc: {  	[smem:$0x3FAF] =	sst s4  }
0xd: {  	[smem:$0x3FB0] =	sst s5  }
0xe: {  	[smem:$0x3FB1] =	sst s6  }
0xf: {  	[smem:$0x3FB2] =	sst s7  }
0x10: {  	[smem:$0x3FB3] =	sst s8  }
0x11: {  	[smem:$0x3FB4] =	sst s9;
	s0 =	simm.s32 @!p0 $0x0  }
0x12: {  	s1 =	sld [smem:$0x3F9A];
	s0 =	simm.s32 @p0 $0x1  }
0x13: {  	[smem:$0x3FB5] =	sst s0;
	s0 =	simm.s32 @!p1 $0x0  }
0x14: {  	s2 =	sld [smem:$0x3F99];
	s0 =	simm.s32 @p1 $0x1  }
0x15: {  	[smem:$0x3FB6] =	sst s0;
	s0 =	simm.s32 @!p2 $0x0  }
0x16: {  	s3 =	sld [smem:$0x3FDB];
	s0 =	simm.s32 @p2 $0x1  }
0x17: {  	s4 =	simm.s32 $0x1BF5;
	[smem:$0x3FB8] =	sst s0  }
0x18: {  	s0 =	sld [smem:$0x3F9B];
	_ =	swait.ge [sflag:s4], $0x0  }
0x19: {  	s7 =	sld [smem:$0x3F9C]  }
0x1a: {  	s8 =	sadd.s32 $0xFFFFE003, lr  }
0x1b: {  	s9 =	sadd.s32 $0xFFFFFEF7, lr;
	s5 =	simm.s32 $0xFFFFFFFF;
	p2 =	slt.u32 s8, $0xFFFFF086  }
0x1c: {  	p1 =	slt.u32 s9, $0xF7A;
	s5 =	simm.s32 @!p2 $0x0  }
0x1d: {  	s5 =	simm.s32 @p1 $0x1;
	p0 =	seq.s32 s7, s2  }
0x1e: {  	s7 =	smul.u32 @!p0 $0xF7A, s2;
	p2 =	seq.s32 @!p0 s5, $0x0  }
0x1f: {  	s9 =	smul.u32 $0xF7A, s1;
	s8 =	simm.s32 @!p0 $0x1BF5;
	p2 =	por !p2, p0  }
0x20: {  	[sflag:s8] =	ssyncset.s32 @!p0 $0xFFFFF086;
	s6 =	sadd.s32 @!p0 s3, s7;
	s7 =	simm.s32 @!p0 $0x108  }
0x21: {  	s3 =	sadd.s32 s3, s9;
	s6 =	sadd.s32 @!p0 $0x88, s6;
	s7 =	simm.s32 @p2 $0x1082  }
0x22: {  	[simem:s7], [sflag:s8] =	dma.local @!p0 [hbm:s6], $0xF7A  }
0x23: {  	s9 =	sor.u32 $0xD0000000, s2;
	s6 =	simm.s32 $0x108;
	_ =	swait.ge @!p0 [sflag:s8], $0x0  }
0x24: {  	s3 =	sadd.s32 $0x88, s3;
	s6 =	simm.s32 @!p1 $0x1082;
	[sflag:s4] =	ssyncset.s32 $0xFFFFF086  }
0x25: {  	[simem:s6], [sflag:s4] =	dma.local [hbm:s3], $0xF7A  }
0x26: {  	[smem:$0x3F9C] =	sst s1;
	(tag) =	ssettag s2;
	_ =	strace s9  }
0x27: {  	s1 =	sld [smem:$0x3FAC]  }
0x28: {  	s2 =	sld [smem:$0x3FAD]  }
0x29: {  	s4 =	sld [smem:$0x3FAF]  }
0x2a: {  	p0 =	seq.s32 s5, $0x0;
	s5 =	sld [smem:$0x3FB0]  }
0x2b: {  	s6 =	sld [smem:$0x3FB1]  }
0x2c: {  	s7 =	sld [smem:$0x3FB2]  }
0x2d: {  	s3 =	simm.s32 $0x108;
	s8 =	sld [smem:$0x3FB3]  }
0x2e: {  	s3 =	simm.s32 @!p0 $0x1082;
	s9 =	sld [smem:$0x3FB4]  }
0x2f: {  	lr =	sadd.s32 s0, s3;
	s0 =	sld [smem:$0x3FAB]  }
0x30: {  	s3 =	sld [smem:$0x3FAE]  }
0x31: {  	[smem:$0x3FB7] =	sst s10  }
0x32: {  	s10 =	sld [smem:$0x3FB5];
	_ =	sdelay $0x3  }
0x33: {  	p0 =	seq.s32 s10, $0x1;
	s10 =	sld [smem:$0x3FB7];
	_ =	sdelay $0x3  }
0x34: {  	[smem:$0x3FB7] =	sst s10  }
0x35: {  	s10 =	sld [smem:$0x3FB6];
	_ =	sdelay $0x3  }
0x36: {  	p1 =	seq.s32 s10, $0x1;
	s10 =	sld [smem:$0x3FB7];
	_ =	sdelay $0x3  }
0x37: {  	[smem:$0x3FB7] =	sst s10  }
0x38: {  	s10 =	sld [smem:$0x3FB8]  }
0x39: {  	_ = 	snop;
	(pc) =	sbr.ind lr, $3  }
0x3a: {  	_ = 	snop  }
0x3b: {  	_ = 	snop  }
0x3c: {  	p2 =	seq.s32 s10, $0x1;
	s10 =	sld [smem:$0x3FB7]  }
0x3d: {  	_ =	shalt  }
0x3e: {  	_ =	shalt  }
0x3f: {  	_ =	shalt  }
0x40: {  	_ =	shalt  }
0x41: {  	_ =	shalt  }
0x42: {  	_ =	shalt  }
0x43: {  	_ =	shalt  }
0x44: {  	_ =	shalt  }
0x45: {  	_ =	shalt  }
0x46: {  	_ =	shalt  }
0x47: {  	_ =	shalt  }
0x48: {  	_ =	shalt  }
0x49: {  	_ =	shalt  }
0x4a: {  	_ =	shalt  }
0x4b: {  	_ =	shalt  }
0x4c: {  	_ =	shalt  }
0x4d: {  	_ =	shalt  }
0x4e: {  	_ =	shalt  }
0x4f: {  	_ =	shalt  }
0x50: {  	_ =	shalt  }
0x51: {  	_ =	shalt  }
0x52: {  	_ =	shalt  }
0x53: {  	_ =	shalt  }
0x54: {  	_ =	shalt  }
0x55: {  	_ =	shalt  }
0x56: {  	_ =	shalt  }
0x57: {  	_ =	shalt  }
0x58: {  	_ =	shalt  }
0x59: {  	_ =	shalt  }
0x5a: {  	_ =	shalt  }
0x5b: {  	_ =	shalt  }
0x5c: {  	_ =	shalt  }
0x5d: {  	_ =	shalt  }
0x5e: {  	_ =	shalt  }
0x5f: {  	_ =	shalt  }
0x60: {  	_ =	shalt  }
0x61: {  	_ =	shalt  }
0x62: {  	_ =	shalt  }
0x63: {  	_ =	shalt  }
0x64: {  	_ =	shalt  }
0x65: {  	_ =	shalt  }
0x66: {  	_ =	shalt  }
0x67: {  	_ =	shalt  }
0x68: {  	_ =	shalt  }
0x69: {  	_ =	shalt  }
0x6a: {  	_ =	shalt  }
0x6b: {  	_ =	shalt  }
0x6c: {  	_ =	shalt  }
0x6d: {  	_ =	shalt  }
0x6e: {  	_ =	shalt  }
0x6f: {  	_ =	shalt  }
0x70: {  	_ =	shalt  }
0x71: {  	_ =	shalt  }
0x72: {  	_ =	shalt  }
0x73: {  	_ =	shalt  }
0x74: {  	_ =	shalt  }
0x75: {  	_ =	shalt  }
0x76: {  	_ =	shalt  }
0x77: {  	_ =	shalt  }
0x78: {  	_ =	shalt  }
0x79: {  	_ =	shalt  }
0x7a: {  	_ =	shalt  }
0x7b: {  	_ =	shalt  }
0x7c: {  	_ =	shalt  }
0x7d: {  	_ =	shalt  }
0x7e: {  	_ =	shalt  }
0x7f: {  	_ =	shalt  }
0x80: {  	_ =	shalt  }
0x81: {  	_ =	shalt  }
0x82: {  	_ =	shalt  }
0x83: {  	_ =	shalt  }
0x84: {  	_ =	shalt  }
0x85: {  	_ =	shalt  }
0x86: {  	_ =	shalt  }
0x87: {  	_ =	shalt  }
.Lfunc_end0:
.L_simem_size_0:
called_computation.1_lowered:
.L_overlay_start_0:
0x88: {  	s2 =	sld [smem:$0x3FD9]  }
0x89: {  	s3 =	sld [smem:$0x3FFE];
	_ =	sdelay $0x1  }
0x8a: {  	s1 =	srdreg.scid  }
0x8b: {  	s0 =	sand.u32 $0x1, s1  }
0x8c: {  	s17 =	sshll.u32 s0, $0xA;
	s2 =	sadd.s32 s3, s2  }
0x8d: {  	s2 =	sadd.s32 s2, s17  }
0x8e: {  	[smem:$0x3FC3] =	sst s2  }
0x8f: {  	_ = 	snop  }
0x90: {  	s4 =	sld [smem:$0x3FC9]  }
0x91: {  	s18 =	sld [smem:$0x3FD0];
	(tm) =	ssettm $0x1  }
0x92: {  	s19 =	sld [smem:$0x3FFB];
	_ =	sdelay $0x3  }
0x93: {  	_ =	strace s19  }
0x94: {  	s2 =	sld [smem:$0x3FFC];
	_ =	sdelay $0x3  }
0x95: {  	_ =	strace s2  }
0x96: {  	s2 =	sld [smem:$0x3FFD];
	_ =	sdelay $0x3  }
0x97: {  	_ =	strace s2  }
0x98: {  	_ =	strace $0x8FFFFFFF  }
0x99: {  	s20 =	sld [smem:$0x3FDB];
	_ =	sdelay $0x1  }
0x9a: {  	s5 =	simm.s32 $_scs_section_size  }
0x9b: {  	s6 =	simm.s32 $_size__tile_overlayer_lowered;
	s7 =	simm.s32 $_tile_overlayer_lowered  }
0x9c: {  	s8 =	simm.s32 $0x1BFF;
	s21 =	sshll.u32 s7, $0x1;
	s5 =	sadd.s32 s5, s20  }
0x9d: {  	s22 =	simm.s32 $0x0;
	s6 =	sshll.u32 s6, $0x1;
	s7 =	sadd.s32 s21, s5  }
0x9e: {  	[timem:s22], [sflag:s8] =	dma.local [hbm:s7], s6  }
0x9f: {  	_ =	swait.ge [sflag:s8], s6  }
0xa0: {  	s6 =	ssub.s32 $0x0, s6;
	[sflag:s8] =	ssyncset.done $0x0  }
0xa1: {  	[sflag:s8] =	ssyncadd.s32 s6;
	_ =	sdelay $0x1  }
0xa2: {  	s23 =	simm.s32 $0x1B8B  }
0xa3: {  	_ =	swait.ge [sflag:s23], $0x1  }
0xa4: {  	[sflag:s23] =	ssyncset.done $0x0  }
0xa5: {  	[sflag:s23] =	ssyncadd.s32 $0xFFFFFFFF  }
0xa6: {  	s6 =	sld [smem:$0x0]  }
0xa7: {  	s7 =	sand.u32 $0xFFFFFFFE, s1  }
0xa8: {  	p0 =	sne.s32 s1, s7  }
0xa9: {  	s7 =	sshll.u32 @p0 s7, $0xE  }
0xaa: {  	s7 =	sadd.s32 @p0 $0x11B8D, s7;
	s8 =	sshll.u32 @p0 s6, $0x11  }
0xab: {  	s7 =	sor.u32 @p0 s8, s7  }
0xac: {  	[sflag:s7] =	ssyncadd.remote.s32 @p0 $0x1;
	_ =	sdelay $0x1  }
0xad: {  	s7 =	simm.s32 @p0 $0x1B8D  }
0xae: {  	_ =	swait.eq @p0 [sflag:s7], $0x1  }
0xaf: {  	[sflag:s7] =	ssyncadd.s32 @p0 $0xFFFFFFFF  }
0xb0: {  	s8 =	sshll.u32 @!p0 s1, $0xE  }
0xb1: {  	s8 =	sor.u32 @!p0 $0x4000, s8;
	s7 =	simm.s32 @!p0 $0x1B8D  }
0xb2: {  	s6 =	sshll.u32 @!p0 s6, $0x11;
	s8 =	sadd.s32 @!p0 $0x11B8D, s8;
	_ =	swait.eq @!p0 [sflag:s7], $0x1  }
0xb3: {  	s6 =	sor.u32 @!p0 s6, s8;
	[sflag:s7] =	ssyncadd.s32 @!p0 $0xFFFFFFFF  }
0xb4: {  	s25 =	simm.s32 $0x1B8E;
	s24 =	sld [smem:$0x3FFE];
	[sflag:s6] =	ssyncadd.remote.s32 @!p0 $0x1  }
0xb5: {  	s26 =	simm.s32 $execute0_lowered;
	[smem:$0x3FD2] =	sst s25  }
0xb6: {  	s7 =	sshll.u32 s26, $0x1;
	_ =	strace $0x80000049;
	[dreg:$0x1] =	wrdreg $0xFFFFFFFF  }
0xb7: {  	s28 =	simm.s32 $_size_execute0_lowered;
	s5 =	sadd.s32 s5, s7;
	[dreg:$0x0] =	wrdreg $0x0  }
0xb8: {  	s7 =	sshll.u32 s28, $0x1;
	[dreg:$0x2] =	wrdreg s5  }
0xb9: {  	[dreg:$0x3] =	wrdreg s7  }
0xba: {  	[dreg:$0x4] =	wrdreg $0xC0  }
0xbb: {  	_ =	task [dreg:s22], $0x5FFFF  }
0xbc: {  	[dreg:$0x1] =	wrdreg $0xFFFFFFFF  }
0xbd: {  	[dreg:$0x0] =	wrdreg $0x60  }
0xbe: {  	[dreg:$0x2] =	wrdreg s4  }
0xbf: {  	[dreg:$0x3] =	wrdreg s24  }
0xc0: {  	[dreg:$0x4] =	wrdreg s18  }
0xc1: {  	[dreg:$0x5] =	wrdreg $0xA  }
0xc2: {  	_ =	task.clear_ibuf [dreg:s22], $0x6FFFF;
	_ =	strace $0x90000049  }
0xc3: {  	s29 =	simm.s32 $0xA;
	_ =	strace $0x8000004B  }
0xc4: {  	_ =	swait.ge [sflag:s29], $0x1  }
0xc5: {  	[sflag:s29] =	ssyncadd.s32 $0xFFFFFFFF  }
0xc6: {  	_ =	strace $0x9000004B  }
0xc7: {  	_ =	sfence  }
0xc8: {  	s30 =	sld [smem:$0x0];
	_ =	sdelay $0x2  }
0xc9: {  	s31 =	sshll.u32 s1, $0xD;
	s1 =	sshrl.u32 s1, $0x2  }
0xca: {  	s4 =	sand.u32 $0x4000, s31;
	s1 =	sadd.s32 s1, s30  }
0xcb: {  	s0 =	sor.u32 s4, s0;
	s1 =	sshll.u32 s1, $0x11  }
0xcc: {  	s0 =	sor.u32 s1, s0  }
0xcd: {  	s0 =	sadd.s32 $0x8F2B, s0  }
0xce: {  	[sflag:s0] =	ssyncadd.remote.s32 $0x1  }
0xcf: {  	_ =	sfence.sel $0xFFFF  }
0xd0: {  	[dreg:$0x0] =	wrdreg $0xFFFFFFFF;
	(pc) =	sbr.abs _section_cstart, $3  }
0xd1: {  	[dreg:$0x1] =	wrdreg $0xFFFFFFFF  }
0xd2: {  	_ =	task.clear_ibuf [dreg:s22], $0x2FFFF;
	_ =	strace $0x9FFFFFFF  }
0xd3: {  	(tm) =	ssettm $0x7FFFFFFF  }
tec
execute0_lowered:
.L_overlay_start_1:
0x0: {  	(tag) =	ssettag $0x1  }
0x1: {  	s0 =	srdreg.scid  }
0x2: {  	s3 =	stileid.u32;
	s1 =	rddreg [dreg:$0x0];
	s0 =	sand.u32 $0x1, s0  }
0x3: {  	s4 =	rddreg [dreg:$0x1];
	s3 =	sshll.u32 s3, $0x9;
	s2 =	sshll.u32 s0, $0xD  }
0x4: {  	s5 =	rddreg [dreg:$0x2];
	s2 =	sor.u32 s3, s2;
	s3 =	simm.s32 $0x0  }
0x5: {  	s17 =	simm.s32 $0xA00;
	[smem:$0x7FF] =	sst s3  }
0x6: {  	s18 =	simm.s32 $0x1200;
	_ =	strace $0x8000004A;
	[dreg:$0x5] =	wrdreg s17  }
0x7: {  	s19 =	simm.s32 $0x1A00;
	[dreg:$0x6] =	wrdreg s18  }
0x8: {  	s20 =	simm.s32 $0x2200;
	[dreg:$0x7] =	wrdreg s19  }
0x9: {  	s21 =	simm.s32 $0x2A00;
	[dreg:$0x8] =	wrdreg s20  }
0xa: {  	s22 =	simm.s32 $0x3200;
	[dreg:$0x9] =	wrdreg s21  }
0xb: {  	s23 =	simm.s32 $0x3A00;
	[dreg:$0xa] =	wrdreg s22  }
0xc: {  	s24 =	simm.s32 $0x4200;
	[dreg:$0xb] =	wrdreg s23  }
0xd: {  	s25 =	simm.s32 $0x4A00;
	[dreg:$0xc] =	wrdreg s24  }
0xe: {  	s26 =	simm.s32 $0x5200;
	[dreg:$0xd] =	wrdreg s25  }
0xf: {  	s7 =	simm.s32 $0x6200;
	[dreg:$0xe] =	wrdreg s26  }
0x10: {  	s8 =	simm.s32 $0x6A00;
	s9 =	simm.s32 $0x7200;
	[dreg:$0x10] =	wrdreg s7  }
0x11: {  	s10 =	simm.s32 $0x7A00;
	s11 =	simm.s32 $0x8200;
	[dreg:$0x11] =	wrdreg s8  }
0x12: {  	s12 =	simm.s32 $0x8A00;
	s13 =	simm.s32 $0x9200;
	[dreg:$0x12] =	wrdreg s9  }
0x13: {  	s14 =	simm.s32 $0x9A00;
	s15 =	simm.s32 $0xA200;
	[dreg:$0x13] =	wrdreg s10  }
0x14: {  	s16 =	simm.s32 $0xAA00;
	s28 =	simm.s32 $0x17A00;
	[dreg:$0x14] =	wrdreg s11  }
0x15: {  	s29 =	simm.s32 $0x2;
	s30 =	simm.s32 $0x3;
	[dreg:$0x15] =	wrdreg s12  }
0x16: {  	s31 =	simm.s32 $0x0;
	s2 =	sshrl.u32 s2, $0x3;
	[dreg:$0x16] =	wrdreg s13  }
0x17: {  	s0 =	ssub.s32 $0x2, s0;
	s6 =	smul.u32 $0x300, s2;
	[dreg:$0x17] =	wrdreg s14  }
0x18: {  	s2 =	sadd.s32 s2, s4;
	[dreg:$0x18] =	wrdreg s15;
	s17 =	sshrl.u32 s0, $0x1  }
0x19: {  	[dreg:$0x19] =	wrdreg s16;
	s18 =	simm.s32 $0xB200;
	s19 =	simm.s32 $0xBA00  }
0x1a: {  	s20 =	simm.s32 $0xCA00;
	s21 =	simm.s32 $0xD200;
	[dreg:$0x1a] =	wrdreg s18  }
0x1b: {  	s22 =	simm.s32 $0xDA00;
	s23 =	simm.s32 $0xE200;
	[dreg:$0x1b] =	wrdreg s19  }
0x1c: {  	s24 =	simm.s32 $0xEA00;
	s9 =	simm.s32 $0x200;
	[dreg:$0x1c] =	wrdreg s20  }
0x1d: {  	s25 =	simm.s32 $0xF200;
	s10 =	simm.s32 $0x4;
	[dreg:$0x1d] =	wrdreg s21  }
0x1e: {  	s26 =	simm.s32 $0xFA00;
	s11 =	simm.s32 $0xC200;
	[dreg:$0x1e] =	wrdreg s22  }
0x1f: {  	s12 =	simm.s32 $0x10200;
	s13 =	simm.s32 $0x10A00;
	[dreg:$0x1f] =	wrdreg s23  }
0x20: {  	s14 =	simm.s32 $0x11200;
	s15 =	simm.s32 $0x11A00;
	[smem:$0x7FB] =	sst s24  }
0x21: {  	s16 =	simm.s32 $0x12200;
	s0 =	ssub.s32 s0, s17;
	[smem:$0x7FC] =	sst s25  }
0x22: {  	s2 =	sadd.s32 $0x1600, s2;
	[smem:$0x7FD] =	sst s26;
	s17 =	simm.s32 $0x12A00  }
0x23: {  	s18 =	simm.s32 $0x13200;
	s19 =	simm.s32 $0x13A00;
	s20 =	simm.s32 $0x14200  }
0x24: {  	s21 =	simm.s32 $0x14A00;
	s22 =	simm.s32 $0x15200;
	s23 =	simm.s32 $0x15A00  }
0x25: {  	s24 =	simm.s32 $0x16200;
	s5 =	sadd.s32 s6, s5;
	[smem:$0x7F9] =	sst s2  }
0x26: {  	v2 =	vlaneseq.u32;
	s25 =	simm.s32 $0x16A00;
	s6 =	simm.s32 $0x5A00;
	[dreg:$0x4] =	wrdreg s5  }
0x27: {  	vm0 =	vmmov $0xffff;
	v1 =	vshrl.u32 v2, $0x3;
	s26 =	simm.s32 $0x17200;
	s0 =	smax.u32 s0, $0x1;
	[dreg:$0xf] =	wrdreg s6  }
0x28: {  	v0 =	vand.u32 $0x7, v2;
	v2 =	vor.u32 $0x8, v2;
	v1 =	vmul.u32 $0x8, v1;
	s5 =	sadd.s32 $0x100, s1;
	s6 =	sadd.s32 $0x200, s1;
	[smem:$0x7FA] =	sst s0  }
.LBB2_1:
0x29: {  	s0 =	sld [smem:$0x7F9];
	_ =	sdelay $0x1  }
0x2a: {  	s8 =	simm.s32 $0x1  }
0x2b: {  	[tilespmem:s3], [sflag:$0x1] =	stream.linear.gather [hbm4b:s0+s3], $0x200, $0x38;
	[tilespmem:$0x18200] =	vst v63  }
0x2c: {  	_ =	swait.ge [sflag:s8], $0x200  }
0x2d: {  	[sflag:s8] =	ssyncset.done $0x0  }
0x2e: {  	s2 =	simm.s32 $0x40;
	s0 =	simm.s32 $0x0;
	[sflag:s8] =	ssyncadd.s32 $0xFFFFFE00  }
.LBB2_2:
0x2f: {  	v3 =	vld [tilespmem:s2+$0xFFFFFFC0];
	_ =	sdelay $0x4  }
0x30: {  	v4 =	vshrl.u32 v3, $0x3  }
0x31: {  	v4 =	vmul.u32 $0x30, v4  }
0x32: {  	v3 =	vand.u32 $0x7, v3  }
0x33: {  	v3 =	vor.u32 v3, v4  }
0x34: {  	v4 =	vperm.xlane v3, v0;
	_ =	sdelay $0x1  }
0x35: {  	v4 =	vadd.s32 v1, v4;
	_ =	sdelay $0x3  }
0x36: {  	v3 =	vperm.xlane v3, v2  }
0x37: {  	[tilespmem:s9], [sflag:$0x4] =	stream.indirect_vreg.gather [hbm4b:s1+s3], $0x80, v4, vm0, $0xb8;
	[tilespmem:$0x18200] =	vst v63  }
0x38: {  	s4 =	rddreg [dreg:$0x5];
	v3 =	vadd.s32 v1, v3  }
0x39: {  	[tilespmem:s4], [sflag:$0x4] =	stream.indirect_vreg.gather [hbm4b:s5+s3], $0x80, v4, vm0, $0xb8;
	[tilespmem:$0x18200] =	vst v63  }
0x3a: {  	s7 =	rddreg [dreg:$0x6]  }
0x3b: {  	[tilespmem:s7], [sflag:$0x4] =	stream.indirect_vreg.gather [hbm4b:s6+s3], $0x80, v4, vm0, $0xb8;
	[tilespmem:$0x18200] =	vst v63  }
0x3c: {  	s8 =	rddreg [dreg:$0x7]  }
0x3d: {  	[tilespmem:s8], [sflag:$0x4] =	stream.indirect_vreg.gather [hbm4b:s1+s3], $0x80, v3, vm0, $0xb8;
	[tilespmem:$0x18200] =	vst v63  }
0x3e: {  	s7 =	rddreg [dreg:$0x8]  }
0x3f: {  	[tilespmem:s7], [sflag:$0x4] =	stream.indirect_vreg.gather [hbm4b:s5+s3], $0x80, v3, vm0, $0xb8;
	[tilespmem:$0x18200] =	vst v63  }
0x40: {  	s8 =	rddreg [dreg:$0x9]  }
0x41: {  	[tilespmem:s8], [sflag:$0x4] =	stream.indirect_vreg.gather [hbm4b:s6+s3], $0x80, v3, vm0, $0xb8;
	[tilespmem:$0x18200] =	vst v63  }
0x42: {  	v3 =	vld [tilespmem:s2+$0xFFFFFFD0];
	_ =	sdelay $0x4  }
0x43: {  	v57 =	vshrl.u32 v3, $0x3  }
0x44: {  	v4 =	vmul.u32 $0x30, v57  }
0x45: {  	v3 =	vand.u32 $0x7, v3  }
0x46: {  	v3 =	vor.u32 v3, v4  }
0x47: {  	v4 =	vperm.xlane v3, v0;
	_ =	sdelay $0x1  }
0x48: {  	v4 =	vadd.s32 v1, v4;
	_ =	sdelay $0x3  }
0x49: {  	s7 =	rddreg [dreg:$0xa];
	v3 =	vperm.xlane v3, v2  }
0x4a: {  	[tilespmem:s7], [sflag:$0x4] =	stream.indirect_vreg.gather [hbm4b:s1+s3], $0x80, v4, vm0, $0xb8;
	[tilespmem:$0x18200] =	vst v63  }
0x4b: {  	s8 =	rddreg [dreg:$0xb];
	v3 =	vadd.s32 v1, v3  }
0x4c: {  	[tilespmem:s8], [sflag:$0x4] =	stream.indirect_vreg.gather [hbm4b:s5+s3], $0x80, v4, vm0, $0xb8;
	[tilespmem:$0x18200] =	vst v63  }
0x4d: {  	s4 =	rddreg [dreg:$0xc]  }
0x4e: {  	[tilespmem:s4], [sflag:$0x4] =	stream.indirect_vreg.gather [hbm4b:s6+s3], $0x80, v4, vm0, $0xb8;
	[tilespmem:$0x18200] =	vst v63  }
0x4f: {  	s8 =	rddreg [dreg:$0xd]  }
0x50: {  	[tilespmem:s8], [sflag:$0x4] =	stream.indirect_vreg.gather [hbm4b:s1+s3], $0x80, v3, vm0, $0xb8;
	[tilespmem:$0x18200] =	vst v63  }
0x51: {  	s4 =	rddreg [dreg:$0xe]  }
0x52: {  	[tilespmem:s4], [sflag:$0x4] =	stream.indirect_vreg.gather [hbm4b:s5+s3], $0x80, v3, vm0, $0xb8;
	[tilespmem:$0x18200] =	vst v63  }
0x53: {  	s8 =	rddreg [dreg:$0xf]  }
0x54: {  	[tilespmem:s8], [sflag:$0x4] =	stream.indirect_vreg.gather [hbm4b:s6+s3], $0x80, v3, vm0, $0xb8;
	[tilespmem:$0x18200] =	vst v63  }
0x55: {  	v3 =	vld [tilespmem:s2+$0xFFFFFFE0];
	_ =	sdelay $0x4  }
0x56: {  	v58 =	vshrl.u32 v3, $0x3  }
0x57: {  	v4 =	vmul.u32 $0x30, v58  }
0x58: {  	v3 =	vand.u32 $0x7, v3  }
0x59: {  	v3 =	vor.u32 v3, v4  }
0x5a: {  	v4 =	vperm.xlane v3, v0;
	_ =	sdelay $0x1  }
0x5b: {  	v4 =	vadd.s32 v1, v4;
	_ =	sdelay $0x3  }
0x5c: {  	s7 =	rddreg [dreg:$0x10];
	v3 =	vperm.xlane v3, v2  }
0x5d: {  	[tilespmem:s7], [sflag:$0x4] =	stream.indirect_vreg.gather [hbm4b:s1+s3], $0x80, v4, vm0, $0xb8;
	[tilespmem:$0x18200] =	vst v63  }
0x5e: {  	s8 =	rddreg [dreg:$0x11];
	v3 =	vadd.s32 v1, v3  }
0x5f: {  	[tilespmem:s8], [sflag:$0x4] =	stream.indirect_vreg.gather [hbm4b:s5+s3], $0x80, v4, vm0, $0xb8;
	[tilespmem:$0x18200] =	vst v63  }
0x60: {  	s4 =	rddreg [dreg:$0x12]  }
0x61: {  	[tilespmem:s4], [sflag:$0x4] =	stream.indirect_vreg.gather [hbm4b:s6+s3], $0x80, v4, vm0, $0xb8;
	[tilespmem:$0x18200] =	vst v63  }
0x62: {  	s8 =	rddreg [dreg:$0x13]  }
0x63: {  	[tilespmem:s8], [sflag:$0x4] =	stream.indirect_vreg.gather [hbm4b:s1+s3], $0x80, v3, vm0, $0xb8;
	[tilespmem:$0x18200] =	vst v63  }
0x64: {  	s4 =	rddreg [dreg:$0x14]  }
0x65: {  	[tilespmem:s4], [sflag:$0x4] =	stream.indirect_vreg.gather [hbm4b:s5+s3], $0x80, v3, vm0, $0xb8;
	[tilespmem:$0x18200] =	vst v63  }
0x66: {  	s8 =	rddreg [dreg:$0x15]  }
0x67: {  	[tilespmem:s8], [sflag:$0x4] =	stream.indirect_vreg.gather [hbm4b:s6+s3], $0x80, v3, vm0, $0xb8;
	[tilespmem:$0x18200] =	vst v63  }
0x68: {  	v3 =	vld [tilespmem:s2+$0xFFFFFFF0];
	_ =	sdelay $0x4  }
0x69: {  	v59 =	vshrl.u32 v3, $0x3  }
0x6a: {  	v4 =	vmul.u32 $0x30, v59  }
0x6b: {  	v3 =	vand.u32 $0x7, v3  }
0x6c: {  	v3 =	vor.u32 v3, v4  }
0x6d: {  	v4 =	vperm.xlane v3, v0;
	_ =	sdelay $0x1  }
0x6e: {  	v4 =	vadd.s32 v1, v4;
	_ =	sdelay $0x3  }
0x6f: {  	s7 =	rddreg [dreg:$0x16];
	v3 =	vperm.xlane v3, v2  }
0x70: {  	[tilespmem:s7], [sflag:$0x4] =	stream.indirect_vreg.gather [hbm4b:s1+s3], $0x80, v4, vm0, $0xb8;
	[tilespmem:$0x18200] =	vst v63  }
0x71: {  	s8 =	rddreg [dreg:$0x17];
	v3 =	vadd.s32 v1, v3  }
0x72: {  	[tilespmem:s8], [sflag:$0x4] =	stream.indirect_vreg.gather [hbm4b:s5+s3], $0x80, v4, vm0, $0xb8;
	[tilespmem:$0x18200] =	vst v63  }
0x73: {  	s4 =	rddreg [dreg:$0x18]  }
0x74: {  	[tilespmem:s4], [sflag:$0x4] =	stream.indirect_vreg.gather [hbm4b:s6+s3], $0x80, v4, vm0, $0xb8;
	[tilespmem:$0x18200] =	vst v63  }
0x75: {  	s8 =	rddreg [dreg:$0x19]  }
0x76: {  	[tilespmem:s8], [sflag:$0x4] =	stream.indirect_vreg.gather [hbm4b:s1+s3], $0x80, v3, vm0, $0xb8;
	[tilespmem:$0x18200] =	vst v63  }
0x77: {  	s4 =	rddreg [dreg:$0x1a]  }
0x78: {  	[tilespmem:s4], [sflag:$0x4] =	stream.indirect_vreg.gather [hbm4b:s5+s3], $0x80, v3, vm0, $0xb8;
	[tilespmem:$0x18200] =	vst v63  }
0x79: {  	s8 =	rddreg [dreg:$0x1b]  }
0x7a: {  	[tilespmem:s8], [sflag:$0x4] =	stream.indirect_vreg.gather [hbm4b:s6+s3], $0x80, v3, vm0, $0xb8;
	[tilespmem:$0x18200] =	vst v63  }
0x7b: {  	_ =	swait.ge [sflag:s10], $0xC000  }
0x7c: {  	s8 =	rddreg [dreg:$0x4];
	[sflag:s10] =	ssyncset.done $0x0  }
0x7d: {  	[sflag:s10] =	ssyncadd.s32 $0xFFFF4000;
	s4 =	sadd.s32 s0, s8  }
0x7e: {  	[hbm4b:s4+s3] =	stream.linear.scatter [tilespmem:s9], [sflag:$0x2], $0xC000, $0x38;
	[tilespmem:$0x18200] =	vst v63  }
0x7f: {  	v3 =	vld [tilespmem:s2+$0x0];
	_ =	sdelay $0x4  }
0x80: {  	v60 =	vshrl.u32 v3, $0x3  }
0x81: {  	v4 =	vmul.u32 $0x30, v60  }
0x82: {  	v3 =	vand.u32 $0x7, v3  }
0x83: {  	v3 =	vor.u32 v3, v4  }
0x84: {  	v4 =	vperm.xlane v3, v0;
	_ =	sdelay $0x1  }
0x85: {  	v4 =	vadd.s32 v1, v4;
	_ =	sdelay $0x3  }
0x86: {  	s7 =	rddreg [dreg:$0x1c];
	v3 =	vperm.xlane v3, v2  }
0x87: {  	[tilespmem:s11], [sflag:$0x4] =	stream.indirect_vreg.gather [hbm4b:s1+s3], $0x80, v4, vm0, $0xb8;
	[tilespmem:$0x18200] =	vst v63  }
0x88: {  	s8 =	rddreg [dreg:$0x1d];
	v3 =	vadd.s32 v1, v3  }
0x89: {  	[tilespmem:s7], [sflag:$0x4] =	stream.indirect_vreg.gather [hbm4b:s5+s3], $0x80, v4, vm0, $0xb8;
	[tilespmem:$0x18200] =	vst v63  }
0x8a: {  	s7 =	rddreg [dreg:$0x1e]  }
0x8b: {  	[tilespmem:s8], [sflag:$0x4] =	stream.indirect_vreg.gather [hbm4b:s6+s3], $0x80, v4, vm0, $0xb8;
	[tilespmem:$0x18200] =	vst v63  }
0x8c: {  	s8 =	rddreg [dreg:$0x1f]  }
0x8d: {  	[tilespmem:s7], [sflag:$0x4] =	stream.indirect_vreg.gather [hbm4b:s1+s3], $0x80, v3, vm0, $0xb8;
	[tilespmem:$0x18200] =	vst v63  }
0x8e: {  	s7 =	sld [smem:$0x7FB]  }
0x8f: {  	[tilespmem:s8], [sflag:$0x4] =	stream.indirect_vreg.gather [hbm4b:s5+s3], $0x80, v3, vm0, $0xb8;
	[tilespmem:$0x18200] =	vst v63  }
0x90: {  	_ = 	snop  }
0x91: {  	[tilespmem:s7], [sflag:$0x4] =	stream.indirect_vreg.gather [hbm4b:s6+s3], $0x80, v3, vm0, $0xb8;
	[tilespmem:$0x18200] =	vst v63  }
0x92: {  	v3 =	vld [tilespmem:s2+$0x10];
	_ =	sdelay $0x4  }
0x93: {  	v61 =	vshrl.u32 v3, $0x3  }
0x94: {  	v4 =	vmul.u32 $0x30, v61  }
0x95: {  	v3 =	vand.u32 $0x7, v3  }
0x96: {  	v3 =	vor.u32 v3, v4  }
0x97: {  	v4 =	vperm.xlane v3, v0;
	_ =	sdelay $0x1  }
0x98: {  	v4 =	vadd.s32 v1, v4;
	_ =	sdelay $0x1  }
0x99: {  	s7 =	sld [smem:$0x7FC];
	_ =	sdelay $0x1  }
0x9a: {  	s8 =	sld [smem:$0x7FD];
	v3 =	vperm.xlane v3, v2  }
0x9b: {  	[tilespmem:s7], [sflag:$0x4] =	stream.indirect_vreg.gather [hbm4b:s1+s3], $0x80, v4, vm0, $0xb8;
	[tilespmem:$0x18200] =	vst v63  }
0x9c: {  	v3 =	vadd.s32 v1, v3  }
0x9d: {  	[tilespmem:s8], [sflag:$0x4] =	stream.indirect_vreg.gather [hbm4b:s5+s3], $0x80, v4, vm0, $0xb8;
	[tilespmem:$0x18200] =	vst v63  }
0x9e: {  	_ = 	snop  }
0x9f: {  	[tilespmem:s12], [sflag:$0x4] =	stream.indirect_vreg.gather [hbm4b:s6+s3], $0x80, v4, vm0, $0xb8;
	[tilespmem:$0x18200] =	vst v63  }
0xa0: {  	_ = 	snop  }
0xa1: {  	[tilespmem:s13], [sflag:$0x4] =	stream.indirect_vreg.gather [hbm4b:s1+s3], $0x80, v3, vm0, $0xb8;
	[tilespmem:$0x18200] =	vst v63  }
0xa2: {  	_ = 	snop  }
0xa3: {  	[tilespmem:s14], [sflag:$0x4] =	stream.indirect_vreg.gather [hbm4b:s5+s3], $0x80, v3, vm0, $0xb8;
	[tilespmem:$0x18200] =	vst v63  }
0xa4: {  	_ = 	snop  }
0xa5: {  	[tilespmem:s15], [sflag:$0x4] =	stream.indirect_vreg.gather [hbm4b:s6+s3], $0x80, v3, vm0, $0xb8;
	[tilespmem:$0x18200] =	vst v63  }
0xa6: {  	v3 =	vld [tilespmem:s2+$0x20];
	_ =	sdelay $0x4  }
0xa7: {  	v62 =	vshrl.u32 v3, $0x3  }
0xa8: {  	v4 =	vmul.u32 $0x30, v62  }
0xa9: {  	v3 =	vand.u32 $0x7, v3  }
0xaa: {  	v3 =	vor.u32 v3, v4  }
0xab: {  	v4 =	vperm.xlane v3, v0;
	_ =	sdelay $0x1  }
0xac: {  	v4 =	vadd.s32 v1, v4;
	_ =	sdelay $0x3  }
0xad: {  	v3 =	vperm.xlane v3, v2  }
0xae: {  	[tilespmem:s16], [sflag:$0x4] =	stream.indirect_vreg.gather [hbm4b:s1+s3], $0x80, v4, vm0, $0xb8;
	[tilespmem:$0x18200] =	vst v63  }
0xaf: {  	v3 =	vadd.s32 v1, v3  }
0xb0: {  	[tilespmem:s17], [sflag:$0x4] =	stream.indirect_vreg.gather [hbm4b:s5+s3], $0x80, v4, vm0, $0xb8;
	[tilespmem:$0x18200] =	vst v63  }
0xb1: {  	_ = 	snop  }
0xb2: {  	[tilespmem:s18], [sflag:$0x4] =	stream.indirect_vreg.gather [hbm4b:s6+s3], $0x80, v4, vm0, $0xb8;
	[tilespmem:$0x18200] =	vst v63  }
0xb3: {  	_ = 	snop  }
0xb4: {  	[tilespmem:s19], [sflag:$0x4] =	stream.indirect_vreg.gather [hbm4b:s1+s3], $0x80, v3, vm0, $0xb8;
	[tilespmem:$0x18200] =	vst v63  }
0xb5: {  	_ = 	snop  }
0xb6: {  	[tilespmem:s20], [sflag:$0x4] =	stream.indirect_vreg.gather [hbm4b:s5+s3], $0x80, v3, vm0, $0xb8;
	[tilespmem:$0x18200] =	vst v63  }
0xb7: {  	_ = 	snop  }
0xb8: {  	[tilespmem:s21], [sflag:$0x4] =	stream.indirect_vreg.gather [hbm4b:s6+s3], $0x80, v3, vm0, $0xb8;
	[tilespmem:$0x18200] =	vst v63  }
0xb9: {  	v3 =	vld [tilespmem:s2+$0x30];
	_ =	sdelay $0x4  }
0xba: {  	v63 =	vshrl.u32 v3, $0x3  }
0xbb: {  	v4 =	vmul.u32 $0x30, v63  }
0xbc: {  	v3 =	vand.u32 $0x7, v3  }
0xbd: {  	v3 =	vor.u32 v3, v4  }
0xbe: {  	v4 =	vperm.xlane v3, v0;
	_ =	sdelay $0x1  }
0xbf: {  	v4 =	vadd.s32 v1, v4;
	_ =	sdelay $0x3  }
0xc0: {  	v3 =	vperm.xlane v3, v2  }
0xc1: {  	[tilespmem:s22], [sflag:$0x4] =	stream.indirect_vreg.gather [hbm4b:s1+s3], $0x80, v4, vm0, $0xb8;
	[tilespmem:$0x18200] =	vst v63  }
0xc2: {  	v3 =	vadd.s32 v1, v3  }
0xc3: {  	[tilespmem:s23], [sflag:$0x4] =	stream.indirect_vreg.gather [hbm4b:s5+s3], $0x80, v4, vm0, $0xb8;
	[tilespmem:$0x18200] =	vst v63  }
0xc4: {  	_ = 	snop  }
0xc5: {  	[tilespmem:s24], [sflag:$0x4] =	stream.indirect_vreg.gather [hbm4b:s6+s3], $0x80, v4, vm0, $0xb8;
	[tilespmem:$0x18200] =	vst v63  }
0xc6: {  	_ = 	snop  }
0xc7: {  	[tilespmem:s25], [sflag:$0x4] =	stream.indirect_vreg.gather [hbm4b:s1+s3], $0x80, v3, vm0, $0xb8;
	[tilespmem:$0x18200] =	vst v63  }
0xc8: {  	_ = 	snop  }
0xc9: {  	[tilespmem:s26], [sflag:$0x4] =	stream.indirect_vreg.gather [hbm4b:s5+s3], $0x80, v3, vm0, $0xb8;
	[tilespmem:$0x18200] =	vst v63  }
0xca: {  	_ = 	snop  }
0xcb: {  	[tilespmem:s28], [sflag:$0x4] =	stream.indirect_vreg.gather [hbm4b:s6+s3], $0x80, v3, vm0, $0xb8;
	[tilespmem:$0x18200] =	vst v63  }
0xcc: {  	_ =	swait.ge [sflag:s10], $0xC000  }
0xcd: {  	[sflag:s10] =	ssyncset.done $0x0  }
0xce: {  	s4 =	sadd.s32 $0x1800, s4;
	[sflag:s10] =	ssyncadd.s32 $0xFFFF4000  }
0xcf: {  	[hbm4b:s4+s3] =	stream.linear.scatter [tilespmem:s11], [sflag:$0x3], $0xC000, $0x38;
	[tilespmem:$0x18200] =	vst v63  }
0xd0: {  	p0 =	sne.s32 s0, $0x9000;
	_ =	swait.ge [sflag:s29], $0xC000  }
.Ltmp0:
0xd1: {  	[sflag:s29] =	ssyncset.done $0x0;
	(pc) =	sbr.rel @p0 .LBB2_2-.Ltmp0, $4  }
0xd2: {  	[sflag:s29] =	ssyncadd.s32 $0xFFFF4000  }
0xd3: {  	_ =	swait.ge [sflag:s30], $0xC000  }
0xd4: {  	[sflag:s30] =	ssyncset.done $0x0  }
0xd5: {  	s0 =	sadd.s32 $0x3000, s0;
	s2 =	sadd.s32 $0x80, s2;
	[sflag:s30] =	ssyncadd.s32 $0xFFFF4000  }
0xd6: {  	s0 =	sld [smem:$0x7FA];
	_ =	sdelay $0x1  }
0xd7: {  	s31 =	sadd.s32 $0x1, s31  }
0xd8: {  	p0 =	sne.s32 s31, s0  }
.Ltmp1:
0xd9: {  	_ = 	snop;
	(pc) =	sbr.rel @p0 .LBB2_1-.Ltmp1, $1  }
0xda: {  	_ =	sdelay $0x3  }
0xdb: {  	_ =	sfence.sel $0x180000  }
0xdc: {  	[bflag:$0x0] =	sbarrier.arrive $0xFFFF  }
0xdd: {  	_ =	strace $0x9000004A  }
0xde: {  	s0 =	stileid.u32;
	[bflag:$0x2] =	sbarrier.arrive $0xFFFF  }
0xdf: {  	p0 =	sne.s32 s0, $0x0;
	s0 =	rddreg [dreg:$0x3]  }
0xe0: {  	s0 =	sadd.s32 @!p0 $0x100000, s0  }
0xe1: {  	[sflag:s0] =	ssyncadd.tile.s32 @!p0 $0x1;
	_ =	shalt  }
.Lfunc_end2:
_tile_overlayer_lowered:
.L_overlay_start_2:
0xe2: {  	(tag) =	ssettag $0x2  }
0xe3: {  	s0 =	rddreg [dreg:$0x0];
	s2 =	stileid.u32  }
0xe4: {  	s1 =	rddreg [dreg:$0x1];
	p0 =	sne.s32 s2, $0x0  }
0xe5: {  	s3 =	rddreg [dreg:$0x2];
	[bflag:$0x3] =	sbarrier.arrive $0xFFFF;
	s2 =	simm.s32 @!p0 $0x1C04  }
0xe6: {  	[timem:s3], [sflag:s2] =	dma.local @!p0 [hbm:s0], s1  }
0xe7: {  	s0 =	simm.s32 @!p0 $0x4  }
0xe8: {  	_ =	swait.ge @!p0 [sflag:s0], s1  }
0xe9: {  	s1 =	ssub.s32 @!p0 $0x0, s1;
	[sflag:s0] =	ssyncset.done @!p0 $0x0  }
0xea: {  	[sflag:s0] =	ssyncadd.s32 @!p0 s1  }
0xeb: {  	[bflag:$0x3] =	sbarrier.arrive $0xFFFF  }
0xec: {  	_ =	shalt  }

</sc_bundles>
